<compile_context>
chip_gen: v7x
topology: tpu7x:2x2x1
jax: 0.10.2.dev20260603
libtpu: 0.0.44.dev20260713+nightly
codegen_flags: <defaults>
</compile_context>

<pallas_src>
import jax
import jax.numpy as jnp
from jax import lax
from jax.experimental import pallas as pl
from jax.experimental.pallas import tpu as pltpu
from jax.experimental.pallas import tpu_sc as plsc

_N_POSES = 4096
_MAX_BLOCKS = 100
_N_BLOCK_TYPES = 1000

_NUM_CORES = 1
_NUM_SUBCORES = 16
_NW = _NUM_CORES * _NUM_SUBCORES
_PPW = _N_POSES // _NW
_LANES = 16
_GROUPS = _PPW // _LANES
_CHUNK = _PPW * _MAX_BLOCKS
_WPAD = _N_BLOCK_TYPES + _LANES


_CHUNK_GROUPS = (2, 3, 5, 6)
assert sum(_CHUNK_GROUPS) == _GROUPS


def _sc_body(bt_hbm, w_hbm, out_hbm, w_v, bt_v, out_v, *sems):
    wid = lax.axis_index("s") * _NUM_CORES + lax.axis_index("c")
    base = wid * _CHUNK
    glen = _LANES * _MAX_BLOCKS
    wcp = pltpu.async_copy(
        w_hbm, w_v.at[pl.ds(0, _N_BLOCK_TYPES)], sems[len(_CHUNK_GROUPS)])
    cps = []
    g0 = 0
    for q, ng in enumerate(_CHUNK_GROUPS):
        cps.append(pltpu.async_copy(
            bt_hbm.at[pl.ds(base + g0 * glen, ng * glen)],
            bt_v.at[pl.ds(g0 * glen, ng * glen)],
            sems[q],
        ))
        g0 += ng
    w_v[pl.ds(_N_BLOCK_TYPES, _LANES)] = jnp.zeros((_LANES,), jnp.float32)

    lanes = lax.iota(jnp.int32, _LANES)
    row_offs = [(lanes + g * _LANES) * _MAX_BLOCKS for g in range(_GROUPS)]
    sentinel = jnp.full((_LANES,), _N_BLOCK_TYPES, jnp.int32)

    def make_bstep(g0, ng):
        def bstep(b, accs):
            new = []
            for g in range(g0, g0 + ng):
                idx = plsc.load_gather(bt_v, [row_offs[g] + b])
                safe = jnp.where(idx < 0, sentinel, idx)
                new.append(accs[g - g0] + plsc.load_gather(w_v, [safe]))
            return tuple(new)
        return bstep

    wcp.wait()
    osem = sems[len(_CHUNK_GROUPS) + 1]
    ocps = []
    g0 = 0
    for q, ng in enumerate(_CHUNK_GROUPS):
        zeros = tuple(jnp.zeros((_LANES,), jnp.float32) for _ in range(ng))
        cps[q].wait()
        accs = lax.fori_loop(
            0, _MAX_BLOCKS, make_bstep(g0, ng), zeros, unroll=4)
        for g in range(ng):
            out_v[pl.ds((g0 + g) * _LANES, _LANES)] = accs[g]
        ocps.append(pltpu.async_copy(
            out_v.at[pl.ds(g0 * _LANES, ng * _LANES)],
            out_hbm.at[pl.ds(wid * _PPW + g0 * _LANES, ng * _LANES)],
            osem,
        ))
        g0 += ng

    for cp in ocps:
        cp.wait()


@jax.jit
def _score(pose_stack_block_types, ref_weights):
    mesh = plsc.VectorSubcoreMesh(
        core_axis_name="c", subcore_axis_name="s", num_cores=_NUM_CORES
    )
    run = pl.kernel(
        _sc_body,
        out_type=jax.ShapeDtypeStruct((_N_POSES,), jnp.float32),
        mesh=mesh,
        compiler_params=pltpu.CompilerParams(needs_layout_passes=False),
        scratch_types=[
            pltpu.VMEM((_WPAD,), jnp.float32),
            pltpu.VMEM((_CHUNK,), jnp.int32),
            pltpu.VMEM((_PPW,), jnp.float32),
        ] + [pltpu.SemaphoreType.DMA] * (len(_CHUNK_GROUPS) + 2),
    )
    return run(pose_stack_block_types.reshape(-1), ref_weights)


def kernel(coords, pose_stack_block_types, ref_weights):
    del coords
    out = _score(pose_stack_block_types, ref_weights)
    return out.reshape(1, _N_POSES)

# --- scband reference (transcript-rebuilt; emitter-appended) ---
"""Pipeline reference for scband-ref-whole-pose-scoring-module-61572651155619 (READ-ONLY COPY).

The authoritative reference and input builder live on the scoring server;
editing this copy changes nothing except your own understanding.
"""

import jax, jax.numpy as jnp
import numpy as np

N_POSES = 4096
MAX_BLOCKS = 100
N_BLOCK_TYPES = 1000

def setup_inputs(seed: int = 0) -> dict:
    key = jax.random.key(seed)
    k1, k2, k3 = jax.random.split(key, 3)
    # block types; -1 marks padding / non-real blocks (as in the torch module's real_blocks mask)
    pose_stack_block_types = jax.random.randint(
        k1, (N_POSES, MAX_BLOCKS), -1, N_BLOCK_TYPES, dtype=jnp.int32)
    ref_weights = jax.random.normal(k2, (N_BLOCK_TYPES,), dtype=jnp.float32)
    # coords are accepted by forward but unused by the ref score (kept for signature fidelity)
    coords = jax.random.normal(k3, (N_POSES, 128, 3), dtype=jnp.float32)
    return {
        "coords": coords,
        "pose_stack_block_types": pose_stack_block_types,
        "ref_weights": ref_weights,
    }

def reference(coords, pose_stack_block_types, ref_weights):
    bt = pose_stack_block_types
    real_blocks = bt >= 0
    # torch: score[real] = index_select(ref_weights, 0, bt[real]); zeros elsewhere
    safe_idx = jnp.clip(bt, 0, None)
    gathered = jnp.take(ref_weights, safe_idx, axis=0)
    score = jnp.where(real_blocks, gathered, jnp.float32(0.0))
    score = jnp.sum(score, axis=1)
    score = jnp.expand_dims(score, 0)
    return score

if __name__ == "__main__":
    import jax
    _d = setup_inputs()
    print(jax.jit(kernel)(*tuple(_d.values())))

</pallas_src>

<mosaic_0001>
#map = affine_map<(d0, d1) -> (0)>
module attributes {stable_mosaic.version = 14 : i64} {
  func.func @_sc_body(%arg0: i32, %arg1: i32, %arg2: memref<409600xi32, #tpu.memory_space<hbm>>, %arg3: memref<1000xf32, #tpu.memory_space<hbm>>, %arg4: memref<4096xf32, #tpu.memory_space<hbm>>, %arg5: memref<1016xf32, #tpu.memory_space<vmem>>, %arg6: memref<25600xi32, #tpu.memory_space<vmem>>, %arg7: memref<256xf32, #tpu.memory_space<vmem>>, %arg8: memref<!tpu.dma_semaphore, #tpu.memory_space<semaphore_mem>>, %arg9: memref<!tpu.dma_semaphore, #tpu.memory_space<semaphore_mem>>, %arg10: memref<!tpu.dma_semaphore, #tpu.memory_space<semaphore_mem>>, %arg11: memref<!tpu.dma_semaphore, #tpu.memory_space<semaphore_mem>>, %arg12: memref<!tpu.dma_semaphore, #tpu.memory_space<semaphore_mem>>, %arg13: memref<!tpu.dma_semaphore, #tpu.memory_space<semaphore_mem>>) attributes {dimension_semantics = [#tpu.dimension_semantics<core_parallel>, #tpu.dimension_semantics<subcore_parallel>], iteration_bounds = array<i64: 1, 16>, scalar_prefetch = 0 : i64, scratch_operands = 9 : i64, tpu.core_type = #tpu.core_type<sc_vector_subcore>, window_params = [{transform_indices = #map}, {transform_indices = #map}, {transform_indices = #map}]} {
    %mul3A = arith.constant 1 : i32
    %mul3A_0 = arith.muli %arg1, %mul3A : i32
    %add3A = arith.addi %mul3A_0, %arg0 : i32
    %mul3A_1 = arith.constant 25600 : i32
    %mul3A_2 = arith.muli %add3A, %mul3A_1 : i32
    %dma_start3A = arith.constant 0 : i32
    %dma_start3A_3 = tpu.memref_slice %arg5[%dma_start3A] : memref<1016xf32, #tpu.memory_space<vmem>> -> memref<1000xf32, #tpu.memory_space<vmem>>
    %dma_start3A_4 = arith.constant 0 : i32
    %dma_start3A_5 = tpu.memref_slice %arg5[%dma_start3A_4] : memref<1016xf32, #tpu.memory_space<vmem>> -> memref<1000xf32, #tpu.memory_space<vmem>>
    tpu.enqueue_dma source(%arg3 : memref<1000xf32, #tpu.memory_space<hbm>>) target(%dma_start3A_5 : memref<1000xf32, #tpu.memory_space<vmem>>) target_semaphore(%arg12 : memref<!tpu.dma_semaphore, #tpu.memory_space<semaphore_mem>>)
    %add3A_6 = arith.constant 0 : i32
    %add3A_7 = arith.addi %mul3A_2, %add3A_6 : i32
    %dma_start3A_8 = arith.constant 0 : i32
    %dma_start3A_9 = tpu.memref_slice %arg6[%dma_start3A_8] : memref<25600xi32, #tpu.memory_space<vmem>> -> memref<3200xi32, #tpu.memory_space<vmem>>
    %dma_start3A_10 = tpu.memref_slice %arg2[%add3A_7] : memref<409600xi32, #tpu.memory_space<hbm>> -> memref<3200xi32, #tpu.memory_space<hbm>>
    %dma_start3A_11 = arith.constant 0 : i32
    %dma_start3A_12 = tpu.memref_slice %arg6[%dma_start3A_11] : memref<25600xi32, #tpu.memory_space<vmem>> -> memref<3200xi32, #tpu.memory_space<vmem>>
    %dma_start3A_13 = tpu.memref_slice %arg2[%add3A_7] : memref<409600xi32, #tpu.memory_space<hbm>> -> memref<3200xi32, #tpu.memory_space<hbm>>
    tpu.enqueue_dma source(%dma_start3A_13 : memref<3200xi32, #tpu.memory_space<hbm>>) target(%dma_start3A_12 : memref<3200xi32, #tpu.memory_space<vmem>>) target_semaphore(%arg8 : memref<!tpu.dma_semaphore, #tpu.memory_space<semaphore_mem>>)
    %add3A_14 = arith.constant 3200 : i32
    %add3A_15 = arith.addi %mul3A_2, %add3A_14 : i32
    %dma_start3A_16 = arith.constant 3200 : i32
    %dma_start3A_17 = tpu.memref_slice %arg6[%dma_start3A_16] : memref<25600xi32, #tpu.memory_space<vmem>> -> memref<4800xi32, #tpu.memory_space<vmem>>
    %dma_start3A_18 = tpu.memref_slice %arg2[%add3A_15] : memref<409600xi32, #tpu.memory_space<hbm>> -> memref<4800xi32, #tpu.memory_space<hbm>>
    %dma_start3A_19 = arith.constant 3200 : i32
    %dma_start3A_20 = tpu.memref_slice %arg6[%dma_start3A_19] : memref<25600xi32, #tpu.memory_space<vmem>> -> memref<4800xi32, #tpu.memory_space<vmem>>
    %dma_start3A_21 = tpu.memref_slice %arg2[%add3A_15] : memref<409600xi32, #tpu.memory_space<hbm>> -> memref<4800xi32, #tpu.memory_space<hbm>>
    tpu.enqueue_dma source(%dma_start3A_21 : memref<4800xi32, #tpu.memory_space<hbm>>) target(%dma_start3A_20 : memref<4800xi32, #tpu.memory_space<vmem>>) target_semaphore(%arg9 : memref<!tpu.dma_semaphore, #tpu.memory_space<semaphore_mem>>)
    %add3A_22 = arith.constant 8000 : i32
    %add3A_23 = arith.addi %mul3A_2, %add3A_22 : i32
    %dma_start3A_24 = arith.constant 8000 : i32
    %dma_start3A_25 = tpu.memref_slice %arg6[%dma_start3A_24] : memref<25600xi32, #tpu.memory_space<vmem>> -> memref<8000xi32, #tpu.memory_space<vmem>>
    %dma_start3A_26 = tpu.memref_slice %arg2[%add3A_23] : memref<409600xi32, #tpu.memory_space<hbm>> -> memref<8000xi32, #tpu.memory_space<hbm>>
    %dma_start3A_27 = arith.constant 8000 : i32
    %dma_start3A_28 = tpu.memref_slice %arg6[%dma_start3A_27] : memref<25600xi32, #tpu.memory_space<vmem>> -> memref<8000xi32, #tpu.memory_space<vmem>>
    %dma_start3A_29 = tpu.memref_slice %arg2[%add3A_23] : memref<409600xi32, #tpu.memory_space<hbm>> -> memref<8000xi32, #tpu.memory_space<hbm>>
    tpu.enqueue_dma source(%dma_start3A_29 : memref<8000xi32, #tpu.memory_space<hbm>>) target(%dma_start3A_28 : memref<8000xi32, #tpu.memory_space<vmem>>) target_semaphore(%arg10 : memref<!tpu.dma_semaphore, #tpu.memory_space<semaphore_mem>>)
    %add3A_30 = arith.constant 16000 : i32
    %add3A_31 = arith.addi %mul3A_2, %add3A_30 : i32
    %dma_start3A_32 = arith.constant 16000 : i32
    %dma_start3A_33 = tpu.memref_slice %arg6[%dma_start3A_32] : memref<25600xi32, #tpu.memory_space<vmem>> -> memref<9600xi32, #tpu.memory_space<vmem>>
    %dma_start3A_34 = tpu.memref_slice %arg2[%add3A_31] : memref<409600xi32, #tpu.memory_space<hbm>> -> memref<9600xi32, #tpu.memory_space<hbm>>
    %dma_start3A_35 = arith.constant 16000 : i32
    %dma_start3A_36 = tpu.memref_slice %arg6[%dma_start3A_35] : memref<25600xi32, #tpu.memory_space<vmem>> -> memref<9600xi32, #tpu.memory_space<vmem>>
    %dma_start3A_37 = tpu.memref_slice %arg2[%add3A_31] : memref<409600xi32, #tpu.memory_space<hbm>> -> memref<9600xi32, #tpu.memory_space<hbm>>
    tpu.enqueue_dma source(%dma_start3A_37 : memref<9600xi32, #tpu.memory_space<hbm>>) target(%dma_start3A_36 : memref<9600xi32, #tpu.memory_space<vmem>>) target_semaphore(%arg11 : memref<!tpu.dma_semaphore, #tpu.memory_space<semaphore_mem>>)
    %broadcast_in_dim3A = arith.constant 0.000000e+00 : f32
    %broadcast_in_dim3A_38 = vector.broadcast %broadcast_in_dim3A : f32 to vector<16xf32>
    %swap3A = arith.constant 1000 : index
    %swap3A_39 = tpu.vector_load %arg5[%swap3A] {strides = array<i32>} : memref<1016xf32, #tpu.memory_space<vmem>>, vector<16xf32>,
    tpu.vector_store %arg5[%swap3A], %broadcast_in_dim3A_38 {strides = array<i32>} : memref<1016xf32, #tpu.memory_space<vmem>>, vector<16xf32>,
    %iota3A = tpu.iota {dimensions = array<i32: 0>} : vector<16xi32>
    %add3A_40 = arith.constant 0 : i32
    %add3A_41 = vector.broadcast %add3A_40 : i32 to vector<16xi32>
    %add3A_42 = arith.addi %iota3A, %add3A_41 : vector<16xi32>
    %mul3A_43 = arith.constant 100 : i32
    %mul3A_44 = vector.broadcast %mul3A_43 : i32 to vector<16xi32>
    %mul3A_45 = arith.muli %add3A_42, %mul3A_44 : vector<16xi32>
    %add3A_46 = arith.constant 16 : i32
    %add3A_47 = vector.broadcast %add3A_46 : i32 to vector<16xi32>
    %add3A_48 = arith.addi %iota3A, %add3A_47 : vector<16xi32>
    %mul3A_49 = arith.constant 100 : i32
    %mul3A_50 = vector.broadcast %mul3A_49 : i32 to vector<16xi32>
    %mul3A_51 = arith.muli %add3A_48, %mul3A_50 : vector<16xi32>
    %add3A_52 = arith.constant 32 : i32
    %add3A_53 = vector.broadcast %add3A_52 : i32 to vector<16xi32>
    %add3A_54 = arith.addi %iota3A, %add3A_53 : vector<16xi32>
    %mul3A_55 = arith.constant 100 : i32
    %mul3A_56 = vector.broadcast %mul3A_55 : i32 to vector<16xi32>
    %mul3A_57 = arith.muli %add3A_54, %mul3A_56 : vector<16xi32>
    %add3A_58 = arith.constant 48 : i32
    %add3A_59 = vector.broadcast %add3A_58 : i32 to vector<16xi32>
    %add3A_60 = arith.addi %iota3A, %add3A_59 : vector<16xi32>
    %mul3A_61 = arith.constant 100 : i32
    %mul3A_62 = vector.broadcast %mul3A_61 : i32 to vector<16xi32>
    %mul3A_63 = arith.muli %add3A_60, %mul3A_62 : vector<16xi32>
    %add3A_64 = arith.constant 64 : i32
    %add3A_65 = vector.broadcast %add3A_64 : i32 to vector<16xi32>
    %add3A_66 = arith.addi %iota3A, %add3A_65 : vector<16xi32>
    %mul3A_67 = arith.constant 100 : i32
    %mul3A_68 = vector.broadcast %mul3A_67 : i32 to vector<16xi32>
    %mul3A_69 = arith.muli %add3A_66, %mul3A_68 : vector<16xi32>
    %add3A_70 = arith.constant 80 : i32
    %add3A_71 = vector.broadcast %add3A_70 : i32 to vector<16xi32>
    %add3A_72 = arith.addi %iota3A, %add3A_71 : vector<16xi32>
    %mul3A_73 = arith.constant 100 : i32
    %mul3A_74 = vector.broadcast %mul3A_73 : i32 to vector<16xi32>
    %mul3A_75 = arith.muli %add3A_72, %mul3A_74 : vector<16xi32>
    %add3A_76 = arith.constant 96 : i32
    %add3A_77 = vector.broadcast %add3A_76 : i32 to vector<16xi32>
    %add3A_78 = arith.addi %iota3A, %add3A_77 : vector<16xi32>
    %mul3A_79 = arith.constant 100 : i32
    %mul3A_80 = vector.broadcast %mul3A_79 : i32 to vector<16xi32>
    %mul3A_81 = arith.muli %add3A_78, %mul3A_80 : vector<16xi32>
    %add3A_82 = arith.constant 112 : i32
    %add3A_83 = vector.broadcast %add3A_82 : i32 to vector<16xi32>
    %add3A_84 = arith.addi %iota3A, %add3A_83 : vector<16xi32>
    %mul3A_85 = arith.constant 100 : i32
    %mul3A_86 = vector.broadcast %mul3A_85 : i32 to vector<16xi32>
    %mul3A_87 = arith.muli %add3A_84, %mul3A_86 : vector<16xi32>
    %add3A_88 = arith.constant 128 : i32
    %add3A_89 = vector.broadcast %add3A_88 : i32 to vector<16xi32>
    %add3A_90 = arith.addi %iota3A, %add3A_89 : vector<16xi32>
    %mul3A_91 = arith.constant 100 : i32
    %mul3A_92 = vector.broadcast %mul3A_91 : i32 to vector<16xi32>
    %mul3A_93 = arith.muli %add3A_90, %mul3A_92 : vector<16xi32>
    %add3A_94 = arith.constant 144 : i32
    %add3A_95 = vector.broadcast %add3A_94 : i32 to vector<16xi32>
    %add3A_96 = arith.addi %iota3A, %add3A_95 : vector<16xi32>
    %mul3A_97 = arith.constant 100 : i32
    %mul3A_98 = vector.broadcast %mul3A_97 : i32 to vector<16xi32>
    %mul3A_99 = arith.muli %add3A_96, %mul3A_98 : vector<16xi32>
    %add3A_100 = arith.constant 160 : i32
    %add3A_101 = vector.broadcast %add3A_100 : i32 to vector<16xi32>
    %add3A_102 = arith.addi %iota3A, %add3A_101 : vector<16xi32>
    %mul3A_103 = arith.constant 100 : i32
    %mul3A_104 = vector.broadcast %mul3A_103 : i32 to vector<16xi32>
    %mul3A_105 = arith.muli %add3A_102, %mul3A_104 : vector<16xi32>
    %add3A_106 = arith.constant 176 : i32
    %add3A_107 = vector.broadcast %add3A_106 : i32 to vector<16xi32>
    %add3A_108 = arith.addi %iota3A, %add3A_107 : vector<16xi32>
    %mul3A_109 = arith.constant 100 : i32
    %mul3A_110 = vector.broadcast %mul3A_109 : i32 to vector<16xi32>
    %mul3A_111 = arith.muli %add3A_108, %mul3A_110 : vector<16xi32>
    %add3A_112 = arith.constant 192 : i32
    %add3A_113 = vector.broadcast %add3A_112 : i32 to vector<16xi32>
    %add3A_114 = arith.addi %iota3A, %add3A_113 : vector<16xi32>
    %mul3A_115 = arith.constant 100 : i32
    %mul3A_116 = vector.broadcast %mul3A_115 : i32 to vector<16xi32>
    %mul3A_117 = arith.muli %add3A_114, %mul3A_116 : vector<16xi32>
    %add3A_118 = arith.constant 208 : i32
    %add3A_119 = vector.broadcast %add3A_118 : i32 to vector<16xi32>
    %add3A_120 = arith.addi %iota3A, %add3A_119 : vector<16xi32>
    %mul3A_121 = arith.constant 100 : i32
    %mul3A_122 = vector.broadcast %mul3A_121 : i32 to vector<16xi32>
    %mul3A_123 = arith.muli %add3A_120, %mul3A_122 : vector<16xi32>
    %add3A_124 = arith.constant 224 : i32
    %add3A_125 = vector.broadcast %add3A_124 : i32 to vector<16xi32>
    %add3A_126 = arith.addi %iota3A, %add3A_125 : vector<16xi32>
    %mul3A_127 = arith.constant 100 : i32
    %mul3A_128 = vector.broadcast %mul3A_127 : i32 to vector<16xi32>
    %mul3A_129 = arith.muli %add3A_126, %mul3A_128 : vector<16xi32>
    %add3A_130 = arith.constant 240 : i32
    %add3A_131 = vector.broadcast %add3A_130 : i32 to vector<16xi32>
    %add3A_132 = arith.addi %iota3A, %add3A_131 : vector<16xi32>
    %mul3A_133 = arith.constant 100 : i32
    %mul3A_134 = vector.broadcast %mul3A_133 : i32 to vector<16xi32>
    %mul3A_135 = arith.muli %add3A_132, %mul3A_134 : vector<16xi32>
    %broadcast_in_dim3A_136 = arith.constant 1000 : i32
    %broadcast_in_dim3A_137 = vector.broadcast %broadcast_in_dim3A_136 : i32 to vector<16xi32>
    %dma_wait3A = arith.constant 0 : i32
    %dma_wait3A_138 = tpu.memref_slice %arg5[%dma_wait3A] : memref<1016xf32, #tpu.memory_space<vmem>> -> memref<1000xf32, #tpu.memory_space<vmem>>
    %dma_wait3A_139 = arith.constant 0 : i32
    %dma_wait3A_140 = tpu.memref_slice %arg5[%dma_wait3A_139] : memref<1016xf32, #tpu.memory_space<vmem>> -> memref<1000xf32, #tpu.memory_space<vmem>>
    tpu.wait_dma2 semaphore(%arg12 : memref<!tpu.dma_semaphore, #tpu.memory_space<semaphore_mem>>) src(%arg3 : memref<1000xf32, #tpu.memory_space<hbm>>) dst(%dma_wait3A_140 : memref<1000xf32, #tpu.memory_space<vmem>>)
    %broadcast_in_dim3A_141 = arith.constant 0.000000e+00 : f32
    %broadcast_in_dim3A_142 = vector.broadcast %broadcast_in_dim3A_141 : f32 to vector<16xf32>
    %broadcast_in_dim3A_143 = arith.constant 0.000000e+00 : f32
    %broadcast_in_dim3A_144 = vector.broadcast %broadcast_in_dim3A_143 : f32 to vector<16xf32>
    %dma_wait3A_145 = arith.constant 0 : i32
    %dma_wait3A_146 = tpu.memref_slice %arg6[%dma_wait3A_145] : memref<25600xi32, #tpu.memory_space<vmem>> -> memref<3200xi32, #tpu.memory_space<vmem>>
    %dma_wait3A_147 = tpu.memref_slice %arg2[%add3A_7] : memref<409600xi32, #tpu.memory_space<hbm>> -> memref<3200xi32, #tpu.memory_space<hbm>>
    %dma_wait3A_148 = arith.constant 0 : i32
    %dma_wait3A_149 = tpu.memref_slice %arg6[%dma_wait3A_148] : memref<25600xi32, #tpu.memory_space<vmem>> -> memref<3200xi32, #tpu.memory_space<vmem>>
    %dma_wait3A_150 = tpu.memref_slice %arg2[%add3A_7] : memref<409600xi32, #tpu.memory_space<hbm>> -> memref<3200xi32, #tpu.memory_space<hbm>>
    tpu.wait_dma2 semaphore(%arg8 : memref<!tpu.dma_semaphore, #tpu.memory_space<semaphore_mem>>) src(%dma_wait3A_150 : memref<3200xi32, #tpu.memory_space<hbm>>) dst(%dma_wait3A_149 : memref<3200xi32, #tpu.memory_space<vmem>>)
    %scan3A = arith.constant 0 : i32
    %scan3A_151 = arith.constant 100 : i32
    %scan3A_152 = arith.addi %scan3A, %scan3A_151 : i32
    %scan3A_153 = arith.constant 4 : i32
    %scan3A_154:2 = scf.for %scan3A_316 = %scan3A to %scan3A_152 step %scan3A_153 iter_args(%scan3A_317 = %broadcast_in_dim3A_142, %scan3A_318 = %broadcast_in_dim3A_144) -> (vector<16xf32>, vector<16xf32>)  : i32 {
      %add3A_319 = vector.broadcast %scan3A_316 : i32 to vector<16xi32>
      %add3A_320 = arith.addi %mul3A_45, %add3A_319 : vector<16xi32>
      %gather3A = tpu.vector_load_idx %arg6[%add3A_320] : memref<25600xi32, #tpu.memory_space<vmem>>[vector<16xi32>], vector<16xi32>,
      %lt3A = arith.constant 0 : i32
      %lt3A_321 = vector.broadcast %lt3A : i32 to vector<16xi32>
      %lt3A_322 = arith.cmpi slt, %gather3A, %lt3A_321 : vector<16xi32>
      %select_n3A = arith.select %lt3A_322, %broadcast_in_dim3A_137, %gather3A : vector<16xi1>, vector<16xi32>
      %gather3A_323 = tpu.vector_load_idx %arg5[%select_n3A] : memref<1016xf32, #tpu.memory_space<vmem>>[vector<16xi32>], vector<16xf32>,
      %add3A_324 = arith.addf %scan3A_317, %gather3A_323 : vector<16xf32>
      %add3A_325 = vector.broadcast %scan3A_316 : i32 to vector<16xi32>
      %add3A_326 = arith.addi %mul3A_51, %add3A_325 : vector<16xi32>
      %gather3A_327 = tpu.vector_load_idx %arg6[%add3A_326] : memref<25600xi32, #tpu.memory_space<vmem>>[vector<16xi32>], vector<16xi32>,
      %lt3A_328 = arith.constant 0 : i32
      %lt3A_329 = vector.broadcast %lt3A_328 : i32 to vector<16xi32>
      %lt3A_330 = arith.cmpi slt, %gather3A_327, %lt3A_329 : vector<16xi32>
      %select_n3A_331 = arith.select %lt3A_330, %broadcast_in_dim3A_137, %gather3A_327 : vector<16xi1>, vector<16xi32>
      %gather3A_332 = tpu.vector_load_idx %arg5[%select_n3A_331] : memref<1016xf32, #tpu.memory_space<vmem>>[vector<16xi32>], vector<16xf32>,
      %add3A_333 = arith.addf %scan3A_318, %gather3A_332 : vector<16xf32>
      %scan3A_334 = arith.constant 1 : i32
      %scan3A_335 = arith.addi %scan3A_316, %scan3A_334 : i32
      %add3A_336 = vector.broadcast %scan3A_335 : i32 to vector<16xi32>
      %add3A_337 = arith.addi %mul3A_45, %add3A_336 : vector<16xi32>
      %gather3A_338 = tpu.vector_load_idx %arg6[%add3A_337] : memref<25600xi32, #tpu.memory_space<vmem>>[vector<16xi32>], vector<16xi32>,
      %lt3A_339 = arith.constant 0 : i32
      %lt3A_340 = vector.broadcast %lt3A_339 : i32 to vector<16xi32>
      %lt3A_341 = arith.cmpi slt, %gather3A_338, %lt3A_340 : vector<16xi32>
      %select_n3A_342 = arith.select %lt3A_341, %broadcast_in_dim3A_137, %gather3A_338 : vector<16xi1>, vector<16xi32>
      %gather3A_343 = tpu.vector_load_idx %arg5[%select_n3A_342] : memref<1016xf32, #tpu.memory_space<vmem>>[vector<16xi32>], vector<16xf32>,
      %add3A_344 = arith.addf %add3A_324, %gather3A_343 : vector<16xf32>
      %add3A_345 = vector.broadcast %scan3A_335 : i32 to vector<16xi32>
      %add3A_346 = arith.addi %mul3A_51, %add3A_345 : vector<16xi32>
      %gather3A_347 = tpu.vector_load_idx %arg6[%add3A_346] : memref<25600xi32, #tpu.memory_space<vmem>>[vector<16xi32>], vector<16xi32>,
      %lt3A_348 = arith.constant 0 : i32
      %lt3A_349 = vector.broadcast %lt3A_348 : i32 to vector<16xi32>
      %lt3A_350 = arith.cmpi slt, %gather3A_347, %lt3A_349 : vector<16xi32>
      %select_n3A_351 = arith.select %lt3A_350, %broadcast_in_dim3A_137, %gather3A_347 : vector<16xi1>, vector<16xi32>
      %gather3A_352 = tpu.vector_load_idx %arg5[%select_n3A_351] : memref<1016xf32, #tpu.memory_space<vmem>>[vector<16xi32>], vector<16xf32>,
      %add3A_353 = arith.addf %add3A_333, %gather3A_352 : vector<16xf32>
      %scan3A_354 = arith.constant 2 : i32
      %scan3A_355 = arith.addi %scan3A_316, %scan3A_354 : i32
      %add3A_356 = vector.broadcast %scan3A_355 : i32 to vector<16xi32>
      %add3A_357 = arith.addi %mul3A_45, %add3A_356 : vector<16xi32>
      %gather3A_358 = tpu.vector_load_idx %arg6[%add3A_357] : memref<25600xi32, #tpu.memory_space<vmem>>[vector<16xi32>], vector<16xi32>,
      %lt3A_359 = arith.constant 0 : i32
      %lt3A_360 = vector.broadcast %lt3A_359 : i32 to vector<16xi32>
      %lt3A_361 = arith.cmpi slt, %gather3A_358, %lt3A_360 : vector<16xi32>
      %select_n3A_362 = arith.select %lt3A_361, %broadcast_in_dim3A_137, %gather3A_358 : vector<16xi1>, vector<16xi32>
      %gather3A_363 = tpu.vector_load_idx %arg5[%select_n3A_362] : memref<1016xf32, #tpu.memory_space<vmem>>[vector<16xi32>], vector<16xf32>,
      %add3A_364 = arith.addf %add3A_344, %gather3A_363 : vector<16xf32>
      %add3A_365 = vector.broadcast %scan3A_355 : i32 to vector<16xi32>
      %add3A_366 = arith.addi %mul3A_51, %add3A_365 : vector<16xi32>
      %gather3A_367 = tpu.vector_load_idx %arg6[%add3A_366] : memref<25600xi32, #tpu.memory_space<vmem>>[vector<16xi32>], vector<16xi32>,
      %lt3A_368 = arith.constant 0 : i32
      %lt3A_369 = vector.broadcast %lt3A_368 : i32 to vector<16xi32>
      %lt3A_370 = arith.cmpi slt, %gather3A_367, %lt3A_369 : vector<16xi32>
      %select_n3A_371 = arith.select %lt3A_370, %broadcast_in_dim3A_137, %gather3A_367 : vector<16xi1>, vector<16xi32>
      %gather3A_372 = tpu.vector_load_idx %arg5[%select_n3A_371] : memref<1016xf32, #tpu.memory_space<vmem>>[vector<16xi32>], vector<16xf32>,
      %add3A_373 = arith.addf %add3A_353, %gather3A_372 : vector<16xf32>
      %scan3A_374 = arith.constant 3 : i32
      %scan3A_375 = arith.addi %scan3A_316, %scan3A_374 : i32
      %add3A_376 = vector.broadcast %scan3A_375 : i32 to vector<16xi32>
      %add3A_377 = arith.addi %mul3A_45, %add3A_376 : vector<16xi32>
      %gather3A_378 = tpu.vector_load_idx %arg6[%add3A_377] : memref<25600xi32, #tpu.memory_space<vmem>>[vector<16xi32>], vector<16xi32>,
      %lt3A_379 = arith.constant 0 : i32
      %lt3A_380 = vector.broadcast %lt3A_379 : i32 to vector<16xi32>
      %lt3A_381 = arith.cmpi slt, %gather3A_378, %lt3A_380 : vector<16xi32>
      %select_n3A_382 = arith.select %lt3A_381, %broadcast_in_dim3A_137, %gather3A_378 : vector<16xi1>, vector<16xi32>
      %gather3A_383 = tpu.vector_load_idx %arg5[%select_n3A_382] : memref<1016xf32, #tpu.memory_space<vmem>>[vector<16xi32>], vector<16xf32>,
      %add3A_384 = arith.addf %add3A_364, %gather3A_383 : vector<16xf32>
      %add3A_385 = vector.broadcast %scan3A_375 : i32 to vector<16xi32>
      %add3A_386 = arith.addi %mul3A_51, %add3A_385 : vector<16xi32>
      %gather3A_387 = tpu.vector_load_idx %arg6[%add3A_386] : memref<25600xi32, #tpu.memory_space<vmem>>[vector<16xi32>], vector<16xi32>,
      %lt3A_388 = arith.constant 0 : i32
      %lt3A_389 = vector.broadcast %lt3A_388 : i32 to vector<16xi32>
      %lt3A_390 = arith.cmpi slt, %gather3A_387, %lt3A_389 : vector<16xi32>
      %select_n3A_391 = arith.select %lt3A_390, %broadcast_in_dim3A_137, %gather3A_387 : vector<16xi1>, vector<16xi32>
      %gather3A_392 = tpu.vector_load_idx %arg5[%select_n3A_391] : memref<1016xf32, #tpu.memory_space<vmem>>[vector<16xi32>], vector<16xf32>,
      %add3A_393 = arith.addf %add3A_373, %gather3A_392 : vector<16xf32>
      scf.yield %add3A_384, %add3A_393 : vector<16xf32>, vector<16xf32>
    }
    %scan3A_155 = arith.constant 100 : i32
    %swap3A_156 = arith.constant 0 : index
    %swap3A_157 = tpu.vector_load %arg7[%swap3A_156] {strides = array<i32>} : memref<256xf32, #tpu.memory_space<vmem>>, vector<16xf32>,
    tpu.vector_store %arg7[%swap3A_156], %scan3A_154#0 {strides = array<i32>} : memref<256xf32, #tpu.memory_space<vmem>>, vector<16xf32>,
    %swap3A_158 = arith.constant 16 : index
    %swap3A_159 = tpu.vector_load %arg7[%swap3A_158] {strides = array<i32>} : memref<256xf32, #tpu.memory_space<vmem>>, vector<16xf32>,
    tpu.vector_store %arg7[%swap3A_158], %scan3A_154#1 {strides = array<i32>} : memref<256xf32, #tpu.memory_space<vmem>>, vector<16xf32>,
    %mul3A_160 = arith.constant 256 : i32
    %mul3A_161 = arith.muli %add3A, %mul3A_160 : i32
    %add3A_162 = arith.constant 0 : i32
    %add3A_163 = arith.addi %mul3A_161, %add3A_162 : i32
    %dma_start3A_164 = arith.constant 0 : i32
    %dma_start3A_165 = tpu.memref_slice %arg7[%dma_start3A_164] : memref<256xf32, #tpu.memory_space<vmem>> -> memref<32xf32, #tpu.memory_space<vmem>>
    %dma_start3A_166 = tpu.memref_slice %arg4[%add3A_163] : memref<4096xf32, #tpu.memory_space<hbm>> -> memref<32xf32, #tpu.memory_space<hbm>>
    %dma_start3A_167 = tpu.memref_slice %arg4[%add3A_163] : memref<4096xf32, #tpu.memory_space<hbm>> -> memref<32xf32, #tpu.memory_space<hbm>>
    %dma_start3A_168 = arith.constant 0 : i32
    %dma_start3A_169 = tpu.memref_slice %arg7[%dma_start3A_168] : memref<256xf32, #tpu.memory_space<vmem>> -> memref<32xf32, #tpu.memory_space<vmem>>
    tpu.enqueue_dma source(%dma_start3A_169 : memref<32xf32, #tpu.memory_space<vmem>>) target(%dma_start3A_167 : memref<32xf32, #tpu.memory_space<hbm>>) target_semaphore(%arg13 : memref<!tpu.dma_semaphore, #tpu.memory_space<semaphore_mem>>)
    %broadcast_in_dim3A_170 = arith.constant 0.000000e+00 : f32
    %broadcast_in_dim3A_171 = vector.broadcast %broadcast_in_dim3A_170 : f32 to vector<16xf32>
    %broadcast_in_dim3A_172 = arith.constant 0.000000e+00 : f32
    %broadcast_in_dim3A_173 = vector.broadcast %broadcast_in_dim3A_172 : f32 to vector<16xf32>
    %broadcast_in_dim3A_174 = arith.constant 0.000000e+00 : f32
    %broadcast_in_dim3A_175 = vector.broadcast %broadcast_in_dim3A_174 : f32 to vector<16xf32>
    %dma_wait3A_176 = arith.constant 3200 : i32
    %dma_wait3A_177 = tpu.memref_slice %arg6[%dma_wait3A_176] : memref<25600xi32, #tpu.memory_space<vmem>> -> memref<4800xi32, #tpu.memory_space<vmem>>
    %dma_wait3A_178 = tpu.memref_slice %arg2[%add3A_15] : memref<409600xi32, #tpu.memory_space<hbm>> -> memref<4800xi32, #tpu.memory_space<hbm>>
    %dma_wait3A_179 = arith.constant 3200 : i32
    %dma_wait3A_180 = tpu.memref_slice %arg6[%dma_wait3A_179] : memref<25600xi32, #tpu.memory_space<vmem>> -> memref<4800xi32, #tpu.memory_space<vmem>>
    %dma_wait3A_181 = tpu.memref_slice %arg2[%add3A_15] : memref<409600xi32, #tpu.memory_space<hbm>> -> memref<4800xi32, #tpu.memory_space<hbm>>
    tpu.wait_dma2 semaphore(%arg9 : memref<!tpu.dma_semaphore, #tpu.memory_space<semaphore_mem>>) src(%dma_wait3A_181 : memref<4800xi32, #tpu.memory_space<hbm>>) dst(%dma_wait3A_180 : memref<4800xi32, #tpu.memory_space<vmem>>)
    %scan3A_182 = arith.constant 0 : i32
    %scan3A_183 = arith.constant 100 : i32
    %scan3A_184 = arith.addi %scan3A_182, %scan3A_183 : i32
    %scan3A_185 = arith.constant 4 : i32
    %scan3A_186:3 = scf.for %scan3A_316 = %scan3A_182 to %scan3A_184 step %scan3A_185 iter_args(%scan3A_317 = %broadcast_in_dim3A_171, %scan3A_318 = %broadcast_in_dim3A_173, %scan3A_319 = %broadcast_in_dim3A_175) -> (vector<16xf32>, vector<16xf32>, vector<16xf32>)  : i32 {
      %add3A_320 = vector.broadcast %scan3A_316 : i32 to vector<16xi32>
      %add3A_321 = arith.addi %mul3A_57, %add3A_320 : vector<16xi32>
      %gather3A = tpu.vector_load_idx %arg6[%add3A_321] : memref<25600xi32, #tpu.memory_space<vmem>>[vector<16xi32>], vector<16xi32>,
      %lt3A = arith.constant 0 : i32
      %lt3A_322 = vector.broadcast %lt3A : i32 to vector<16xi32>
      %lt3A_323 = arith.cmpi slt, %gather3A, %lt3A_322 : vector<16xi32>
      %select_n3A = arith.select %lt3A_323, %broadcast_in_dim3A_137, %gather3A : vector<16xi1>, vector<16xi32>
      %gather3A_324 = tpu.vector_load_idx %arg5[%select_n3A] : memref<1016xf32, #tpu.memory_space<vmem>>[vector<16xi32>], vector<16xf32>,
      %add3A_325 = arith.addf %scan3A_317, %gather3A_324 : vector<16xf32>
      %add3A_326 = vector.broadcast %scan3A_316 : i32 to vector<16xi32>
      %add3A_327 = arith.addi %mul3A_63, %add3A_326 : vector<16xi32>
      %gather3A_328 = tpu.vector_load_idx %arg6[%add3A_327] : memref<25600xi32, #tpu.memory_space<vmem>>[vector<16xi32>], vector<16xi32>,
      %lt3A_329 = arith.constant 0 : i32
      %lt3A_330 = vector.broadcast %lt3A_329 : i32 to vector<16xi32>
      %lt3A_331 = arith.cmpi slt, %gather3A_328, %lt3A_330 : vector<16xi32>
      %select_n3A_332 = arith.select %lt3A_331, %broadcast_in_dim3A_137, %gather3A_328 : vector<16xi1>, vector<16xi32>
      %gather3A_333 = tpu.vector_load_idx %arg5[%select_n3A_332] : memref<1016xf32, #tpu.memory_space<vmem>>[vector<16xi32>], vector<16xf32>,
      %add3A_334 = arith.addf %scan3A_318, %gather3A_333 : vector<16xf32>
      %add3A_335 = vector.broadcast %scan3A_316 : i32 to vector<16xi32>
      %add3A_336 = arith.addi %mul3A_69, %add3A_335 : vector<16xi32>
      %gather3A_337 = tpu.vector_load_idx %arg6[%add3A_336] : memref<25600xi32, #tpu.memory_space<vmem>>[vector<16xi32>], vector<16xi32>,
      %lt3A_338 = arith.constant 0 : i32
      %lt3A_339 = vector.broadcast %lt3A_338 : i32 to vector<16xi32>
      %lt3A_340 = arith.cmpi slt, %gather3A_337, %lt3A_339 : vector<16xi32>
      %select_n3A_341 = arith.select %lt3A_340, %broadcast_in_dim3A_137, %gather3A_337 : vector<16xi1>, vector<16xi32>
      %gather3A_342 = tpu.vector_load_idx %arg5[%select_n3A_341] : memref<1016xf32, #tpu.memory_space<vmem>>[vector<16xi32>], vector<16xf32>,
      %add3A_343 = arith.addf %scan3A_319, %gather3A_342 : vector<16xf32>
      %scan3A_344 = arith.constant 1 : i32
      %scan3A_345 = arith.addi %scan3A_316, %scan3A_344 : i32
      %add3A_346 = vector.broadcast %scan3A_345 : i32 to vector<16xi32>
      %add3A_347 = arith.addi %mul3A_57, %add3A_346 : vector<16xi32>
      %gather3A_348 = tpu.vector_load_idx %arg6[%add3A_347] : memref<25600xi32, #tpu.memory_space<vmem>>[vector<16xi32>], vector<16xi32>,
      %lt3A_349 = arith.constant 0 : i32
      %lt3A_350 = vector.broadcast %lt3A_349 : i32 to vector<16xi32>
      %lt3A_351 = arith.cmpi slt, %gather3A_348, %lt3A_350 : vector<16xi32>
      %select_n3A_352 = arith.select %lt3A_351, %broadcast_in_dim3A_137, %gather3A_348 : vector<16xi1>, vector<16xi32>
      %gather3A_353 = tpu.vector_load_idx %arg5[%select_n3A_352] : memref<1016xf32, #tpu.memory_space<vmem>>[vector<16xi32>], vector<16xf32>,
      %add3A_354 = arith.addf %add3A_325, %gather3A_353 : vector<16xf32>
      %add3A_355 = vector.broadcast %scan3A_345 : i32 to vector<16xi32>
      %add3A_356 = arith.addi %mul3A_63, %add3A_355 : vector<16xi32>
      %gather3A_357 = tpu.vector_load_idx %arg6[%add3A_356] : memref<25600xi32, #tpu.memory_space<vmem>>[vector<16xi32>], vector<16xi32>,
      %lt3A_358 = arith.constant 0 : i32
      %lt3A_359 = vector.broadcast %lt3A_358 : i32 to vector<16xi32>
      %lt3A_360 = arith.cmpi slt, %gather3A_357, %lt3A_359 : vector<16xi32>
      %select_n3A_361 = arith.select %lt3A_360, %broadcast_in_dim3A_137, %gather3A_357 : vector<16xi1>, vector<16xi32>
      %gather3A_362 = tpu.vector_load_idx %arg5[%select_n3A_361] : memref<1016xf32, #tpu.memory_space<vmem>>[vector<16xi32>], vector<16xf32>,
      %add3A_363 = arith.addf %add3A_334, %gather3A_362 : vector<16xf32>
      %add3A_364 = vector.broadcast %scan3A_345 : i32 to vector<16xi32>
      %add3A_365 = arith.addi %mul3A_69, %add3A_364 : vector<16xi32>
      %gather3A_366 = tpu.vector_load_idx %arg6[%add3A_365] : memref<25600xi32, #tpu.memory_space<vmem>>[vector<16xi32>], vector<16xi32>,
      %lt3A_367 = arith.constant 0 : i32
      %lt3A_368 = vector.broadcast %lt3A_367 : i32 to vector<16xi32>
      %lt3A_369 = arith.cmpi slt, %gather3A_366, %lt3A_368 : vector<16xi32>
      %select_n3A_370 = arith.select %lt3A_369, %broadcast_in_dim3A_137, %gather3A_366 : vector<16xi1>, vector<16xi32>
      %gather3A_371 = tpu.vector_load_idx %arg5[%select_n3A_370] : memref<1016xf32, #tpu.memory_space<vmem>>[vector<16xi32>], vector<16xf32>,
      %add3A_372 = arith.addf %add3A_343, %gather3A_371 : vector<16xf32>
      %scan3A_373 = arith.constant 2 : i32
      %scan3A_374 = arith.addi %scan3A_316, %scan3A_373 : i32
      %add3A_375 = vector.broadcast %scan3A_374 : i32 to vector<16xi32>
      %add3A_376 = arith.addi %mul3A_57, %add3A_375 : vector<16xi32>
      %gather3A_377 = tpu.vector_load_idx %arg6[%add3A_376] : memref<25600xi32, #tpu.memory_space<vmem>>[vector<16xi32>], vector<16xi32>,
      %lt3A_378 = arith.constant 0 : i32
      %lt3A_379 = vector.broadcast %lt3A_378 : i32 to vector<16xi32>
      %lt3A_380 = arith.cmpi slt, %gather3A_377, %lt3A_379 : vector<16xi32>
      %select_n3A_381 = arith.select %lt3A_380, %broadcast_in_dim3A_137, %gather3A_377 : vector<16xi1>, vector<16xi32>
      %gather3A_382 = tpu.vector_load_idx %arg5[%select_n3A_381] : memref<1016xf32, #tpu.memory_space<vmem>>[vector<16xi32>], vector<16xf32>,
      %add3A_383 = arith.addf %add3A_354, %gather3A_382 : vector<16xf32>
      %add3A_384 = vector.broadcast %scan3A_374 : i32 to vector<16xi32>
      %add3A_385 = arith.addi %mul3A_63, %add3A_384 : vector<16xi32>
      %gather3A_386 = tpu.vector_load_idx %arg6[%add3A_385] : memref<25600xi32, #tpu.memory_space<vmem>>[vector<16xi32>], vector<16xi32>,
      %lt3A_387 = arith.constant 0 : i32
      %lt3A_388 = vector.broadcast %lt3A_387 : i32 to vector<16xi32>
      %lt3A_389 = arith.cmpi slt, %gather3A_386, %lt3A_388 : vector<16xi32>
      %select_n3A_390 = arith.select %lt3A_389, %broadcast_in_dim3A_137, %gather3A_386 : vector<16xi1>, vector<16xi32>
      %gather3A_391 = tpu.vector_load_idx %arg5[%select_n3A_390] : memref<1016xf32, #tpu.memory_space<vmem>>[vector<16xi32>], vector<16xf32>,
      %add3A_392 = arith.addf %add3A_363, %gather3A_391 : vector<16xf32>
      %add3A_393 = vector.broadcast %scan3A_374 : i32 to vector<16xi32>
      %add3A_394 = arith.addi %mul3A_69, %add3A_393 : vector<16xi32>
      %gather3A_395 = tpu.vector_load_idx %arg6[%add3A_394] : memref<25600xi32, #tpu.memory_space<vmem>>[vector<16xi32>], vector<16xi32>,
      %lt3A_396 = arith.constant 0 : i32
      %lt3A_397 = vector.broadcast %lt3A_396 : i32 to vector<16xi32>
      %lt3A_398 = arith.cmpi slt, %gather3A_395, %lt3A_397 : vector<16xi32>
      %select_n3A_399 = arith.select %lt3A_398, %broadcast_in_dim3A_137, %gather3A_395 : vector<16xi1>, vector<16xi32>
      %gather3A_400 = tpu.vector_load_idx %arg5[%select_n3A_399] : memref<1016xf32, #tpu.memory_space<vmem>>[vector<16xi32>], vector<16xf32>,
      %add3A_401 = arith.addf %add3A_372, %gather3A_400 : vector<16xf32>
      %scan3A_402 = arith.constant 3 : i32
      %scan3A_403 = arith.addi %scan3A_316, %scan3A_402 : i32
      %add3A_404 = vector.broadcast %scan3A_403 : i32 to vector<16xi32>
      %add3A_405 = arith.addi %mul3A_57, %add3A_404 : vector<16xi32>
      %gather3A_406 = tpu.vector_load_idx %arg6[%add3A_405] : memref<25600xi32, #tpu.memory_space<vmem>>[vector<16xi32>], vector<16xi32>,
      %lt3A_407 = arith.constant 0 : i32
      %lt3A_408 = vector.broadcast %lt3A_407 : i32 to vector<16xi32>
      %lt3A_409 = arith.cmpi slt, %gather3A_406, %lt3A_408 : vector<16xi32>
      %select_n3A_410 = arith.select %lt3A_409, %broadcast_in_dim3A_137, %gather3A_406 : vector<16xi1>, vector<16xi32>
      %gather3A_411 = tpu.vector_load_idx %arg5[%select_n3A_410] : memref<1016xf32, #tpu.memory_space<vmem>>[vector<16xi32>], vector<16xf32>,
      %add3A_412 = arith.addf %add3A_383, %gather3A_411 : vector<16xf32>
      %add3A_413 = vector.broadcast %scan3A_403 : i32 to vector<16xi32>
      %add3A_414 = arith.addi %mul3A_63, %add3A_413 : vector<16xi32>
      %gather3A_415 = tpu.vector_load_idx %arg6[%add3A_414] : memref<25600xi32, #tpu.memory_space<vmem>>[vector<16xi32>], vector<16xi32>,
      %lt3A_416 = arith.constant 0 : i32
      %lt3A_417 = vector.broadcast %lt3A_416 : i32 to vector<16xi32>
      %lt3A_418 = arith.cmpi slt, %gather3A_415, %lt3A_417 : vector<16xi32>
      %select_n3A_419 = arith.select %lt3A_418, %broadcast_in_dim3A_137, %gather3A_415 : vector<16xi1>, vector<16xi32>
      %gather3A_420 = tpu.vector_load_idx %arg5[%select_n3A_419] : memref<1016xf32, #tpu.memory_space<vmem>>[vector<16xi32>], vector<16xf32>,
      %add3A_421 = arith.addf %add3A_392, %gather3A_420 : vector<16xf32>
      %add3A_422 = vector.broadcast %scan3A_403 : i32 to vector<16xi32>
      %add3A_423 = arith.addi %mul3A_69, %add3A_422 : vector<16xi32>
      %gather3A_424 = tpu.vector_load_idx %arg6[%add3A_423] : memref<25600xi32, #tpu.memory_space<vmem>>[vector<16xi32>], vector<16xi32>,
      %lt3A_425 = arith.constant 0 : i32
      %lt3A_426 = vector.broadcast %lt3A_425 : i32 to vector<16xi32>
      %lt3A_427 = arith.cmpi slt, %gather3A_424, %lt3A_426 : vector<16xi32>
      %select_n3A_428 = arith.select %lt3A_427, %broadcast_in_dim3A_137, %gather3A_424 : vector<16xi1>, vector<16xi32>
      %gather3A_429 = tpu.vector_load_idx %arg5[%select_n3A_428] : memref<1016xf32, #tpu.memory_space<vmem>>[vector<16xi32>], vector<16xf32>,
      %add3A_430 = arith.addf %add3A_401, %gather3A_429 : vector<16xf32>
      scf.yield %add3A_412, %add3A_421, %add3A_430 : vector<16xf32>, vector<16xf32>, vector<16xf32>
    }
    %scan3A_187 = arith.constant 100 : i32
    %swap3A_188 = arith.constant 32 : index
    %swap3A_189 = tpu.vector_load %arg7[%swap3A_188] {strides = array<i32>} : memref<256xf32, #tpu.memory_space<vmem>>, vector<16xf32>,
    tpu.vector_store %arg7[%swap3A_188], %scan3A_186#0 {strides = array<i32>} : memref<256xf32, #tpu.memory_space<vmem>>, vector<16xf32>,
    %swap3A_190 = arith.constant 48 : index
    %swap3A_191 = tpu.vector_load %arg7[%swap3A_190] {strides = array<i32>} : memref<256xf32, #tpu.memory_space<vmem>>, vector<16xf32>,
    tpu.vector_store %arg7[%swap3A_190], %scan3A_186#1 {strides = array<i32>} : memref<256xf32, #tpu.memory_space<vmem>>, vector<16xf32>,
    %swap3A_192 = arith.constant 64 : index
    %swap3A_193 = tpu.vector_load %arg7[%swap3A_192] {strides = array<i32>} : memref<256xf32, #tpu.memory_space<vmem>>, vector<16xf32>,
    tpu.vector_store %arg7[%swap3A_192], %scan3A_186#2 {strides = array<i32>} : memref<256xf32, #tpu.memory_space<vmem>>, vector<16xf32>,
    %mul3A_194 = arith.constant 256 : i32
    %mul3A_195 = arith.muli %add3A, %mul3A_194 : i32
    %add3A_196 = arith.constant 32 : i32
    %add3A_197 = arith.addi %mul3A_195, %add3A_196 : i32
    %dma_start3A_198 = arith.constant 32 : i32
    %dma_start3A_199 = tpu.memref_slice %arg7[%dma_start3A_198] : memref<256xf32, #tpu.memory_space<vmem>> -> memref<48xf32, #tpu.memory_space<vmem>>
    %dma_start3A_200 = tpu.memref_slice %arg4[%add3A_197] : memref<4096xf32, #tpu.memory_space<hbm>> -> memref<48xf32, #tpu.memory_space<hbm>>
    %dma_start3A_201 = tpu.memref_slice %arg4[%add3A_197] : memref<4096xf32, #tpu.memory_space<hbm>> -> memref<48xf32, #tpu.memory_space<hbm>>
    %dma_start3A_202 = arith.constant 32 : i32
    %dma_start3A_203 = tpu.memref_slice %arg7[%dma_start3A_202] : memref<256xf32, #tpu.memory_space<vmem>> -> memref<48xf32, #tpu.memory_space<vmem>>
    tpu.enqueue_dma source(%dma_start3A_203 : memref<48xf32, #tpu.memory_space<vmem>>) target(%dma_start3A_201 : memref<48xf32, #tpu.memory_space<hbm>>) target_semaphore(%arg13 : memref<!tpu.dma_semaphore, #tpu.memory_space<semaphore_mem>>)
    %broadcast_in_dim3A_204 = arith.constant 0.000000e+00 : f32
    %broadcast_in_dim3A_205 = vector.broadcast %broadcast_in_dim3A_204 : f32 to vector<16xf32>
    %broadcast_in_dim3A_206 = arith.constant 0.000000e+00 : f32
    %broadcast_in_dim3A_207 = vector.broadcast %broadcast_in_dim3A_206 : f32 to vector<16xf32>
    %broadcast_in_dim3A_208 = arith.constant 0.000000e+00 : f32
    %broadcast_in_dim3A_209 = vector.broadcast %broadcast_in_dim3A_208 : f32 to vector<16xf32>
    %broadcast_in_dim3A_210 = arith.constant 0.000000e+00 : f32
    %broadcast_in_dim3A_211 = vector.broadcast %broadcast_in_dim3A_210 : f32 to vector<16xf32>
    %broadcast_in_dim3A_212 = arith.constant 0.000000e+00 : f32
    %broadcast_in_dim3A_213 = vector.broadcast %broadcast_in_dim3A_212 : f32 to vector<16xf32>
    %dma_wait3A_214 = arith.constant 8000 : i32
    %dma_wait3A_215 = tpu.memref_slice %arg6[%dma_wait3A_214] : memref<25600xi32, #tpu.memory_space<vmem>> -> memref<8000xi32, #tpu.memory_space<vmem>>
    %dma_wait3A_216 = tpu.memref_slice %arg2[%add3A_23] : memref<409600xi32, #tpu.memory_space<hbm>> -> memref<8000xi32, #tpu.memory_space<hbm>>
    %dma_wait3A_217 = arith.constant 8000 : i32
    %dma_wait3A_218 = tpu.memref_slice %arg6[%dma_wait3A_217] : memref<25600xi32, #tpu.memory_space<vmem>> -> memref<8000xi32, #tpu.memory_space<vmem>>
    %dma_wait3A_219 = tpu.memref_slice %arg2[%add3A_23] : memref<409600xi32, #tpu.memory_space<hbm>> -> memref<8000xi32, #tpu.memory_space<hbm>>
    tpu.wait_dma2 semaphore(%arg10 : memref<!tpu.dma_semaphore, #tpu.memory_space<semaphore_mem>>) src(%dma_wait3A_219 : memref<8000xi32, #tpu.memory_space<hbm>>) dst(%dma_wait3A_218 : memref<8000xi32, #tpu.memory_space<vmem>>)
    %scan3A_220 = arith.constant 0 : i32
    %scan3A_221 = arith.constant 100 : i32
    %scan3A_222 = arith.addi %scan3A_220, %scan3A_221 : i32
    %scan3A_223 = arith.constant 4 : i32
    %scan3A_224:5 = scf.for %scan3A_316 = %scan3A_220 to %scan3A_222 step %scan3A_223 iter_args(%scan3A_317 = %broadcast_in_dim3A_205, %scan3A_318 = %broadcast_in_dim3A_207, %scan3A_319 = %broadcast_in_dim3A_209, %scan3A_320 = %broadcast_in_dim3A_211, %scan3A_321 = %broadcast_in_dim3A_213) -> (vector<16xf32>, vector<16xf32>, vector<16xf32>, vector<16xf32>, vector<16xf32>)  : i32 {
      %add3A_322 = vector.broadcast %scan3A_316 : i32 to vector<16xi32>
      %add3A_323 = arith.addi %mul3A_75, %add3A_322 : vector<16xi32>
      %gather3A = tpu.vector_load_idx %arg6[%add3A_323] : memref<25600xi32, #tpu.memory_space<vmem>>[vector<16xi32>], vector<16xi32>,
      %lt3A = arith.constant 0 : i32
      %lt3A_324 = vector.broadcast %lt3A : i32 to vector<16xi32>
      %lt3A_325 = arith.cmpi slt, %gather3A, %lt3A_324 : vector<16xi32>
      %select_n3A = arith.select %lt3A_325, %broadcast_in_dim3A_137, %gather3A : vector<16xi1>, vector<16xi32>
      %gather3A_326 = tpu.vector_load_idx %arg5[%select_n3A] : memref<1016xf32, #tpu.memory_space<vmem>>[vector<16xi32>], vector<16xf32>,
      %add3A_327 = arith.addf %scan3A_317, %gather3A_326 : vector<16xf32>
      %add3A_328 = vector.broadcast %scan3A_316 : i32 to vector<16xi32>
      %add3A_329 = arith.addi %mul3A_81, %add3A_328 : vector<16xi32>
      %gather3A_330 = tpu.vector_load_idx %arg6[%add3A_329] : memref<25600xi32, #tpu.memory_space<vmem>>[vector<16xi32>], vector<16xi32>,
      %lt3A_331 = arith.constant 0 : i32
      %lt3A_332 = vector.broadcast %lt3A_331 : i32 to vector<16xi32>
      %lt3A_333 = arith.cmpi slt, %gather3A_330, %lt3A_332 : vector<16xi32>
      %select_n3A_334 = arith.select %lt3A_333, %broadcast_in_dim3A_137, %gather3A_330 : vector<16xi1>, vector<16xi32>
      %gather3A_335 = tpu.vector_load_idx %arg5[%select_n3A_334] : memref<1016xf32, #tpu.memory_space<vmem>>[vector<16xi32>], vector<16xf32>,
      %add3A_336 = arith.addf %scan3A_318, %gather3A_335 : vector<16xf32>
      %add3A_337 = vector.broadcast %scan3A_316 : i32 to vector<16xi32>
      %add3A_338 = arith.addi %mul3A_87, %add3A_337 : vector<16xi32>
      %gather3A_339 = tpu.vector_load_idx %arg6[%add3A_338] : memref<25600xi32, #tpu.memory_space<vmem>>[vector<16xi32>], vector<16xi32>,
      %lt3A_340 = arith.constant 0 : i32
      %lt3A_341 = vector.broadcast %lt3A_340 : i32 to vector<16xi32>
      %lt3A_342 = arith.cmpi slt, %gather3A_339, %lt3A_341 : vector<16xi32>
      %select_n3A_343 = arith.select %lt3A_342, %broadcast_in_dim3A_137, %gather3A_339 : vector<16xi1>, vector<16xi32>
      %gather3A_344 = tpu.vector_load_idx %arg5[%select_n3A_343] : memref<1016xf32, #tpu.memory_space<vmem>>[vector<16xi32>], vector<16xf32>,
      %add3A_345 = arith.addf %scan3A_319, %gather3A_344 : vector<16xf32>
      %add3A_346 = vector.broadcast %scan3A_316 : i32 to vector<16xi32>
      %add3A_347 = arith.addi %mul3A_93, %add3A_346 : vector<16xi32>
      %gather3A_348 = tpu.vector_load_idx %arg6[%add3A_347] : memref<25600xi32, #tpu.memory_space<vmem>>[vector<16xi32>], vector<16xi32>,
      %lt3A_349 = arith.constant 0 : i32
      %lt3A_350 = vector.broadcast %lt3A_349 : i32 to vector<16xi32>
      %lt3A_351 = arith.cmpi slt, %gather3A_348, %lt3A_350 : vector<16xi32>
      %select_n3A_352 = arith.select %lt3A_351, %broadcast_in_dim3A_137, %gather3A_348 : vector<16xi1>, vector<16xi32>
      %gather3A_353 = tpu.vector_load_idx %arg5[%select_n3A_352] : memref<1016xf32, #tpu.memory_space<vmem>>[vector<16xi32>], vector<16xf32>,
      %add3A_354 = arith.addf %scan3A_320, %gather3A_353 : vector<16xf32>
      %add3A_355 = vector.broadcast %scan3A_316 : i32 to vector<16xi32>
      %add3A_356 = arith.addi %mul3A_99, %add3A_355 : vector<16xi32>
      %gather3A_357 = tpu.vector_load_idx %arg6[%add3A_356] : memref<25600xi32, #tpu.memory_space<vmem>>[vector<16xi32>], vector<16xi32>,
      %lt3A_358 = arith.constant 0 : i32
      %lt3A_359 = vector.broadcast %lt3A_358 : i32 to vector<16xi32>
      %lt3A_360 = arith.cmpi slt, %gather3A_357, %lt3A_359 : vector<16xi32>
      %select_n3A_361 = arith.select %lt3A_360, %broadcast_in_dim3A_137, %gather3A_357 : vector<16xi1>, vector<16xi32>
      %gather3A_362 = tpu.vector_load_idx %arg5[%select_n3A_361] : memref<1016xf32, #tpu.memory_space<vmem>>[vector<16xi32>], vector<16xf32>,
      %add3A_363 = arith.addf %scan3A_321, %gather3A_362 : vector<16xf32>
      %scan3A_364 = arith.constant 1 : i32
      %scan3A_365 = arith.addi %scan3A_316, %scan3A_364 : i32
      %add3A_366 = vector.broadcast %scan3A_365 : i32 to vector<16xi32>
      %add3A_367 = arith.addi %mul3A_75, %add3A_366 : vector<16xi32>
      %gather3A_368 = tpu.vector_load_idx %arg6[%add3A_367] : memref<25600xi32, #tpu.memory_space<vmem>>[vector<16xi32>], vector<16xi32>,
      %lt3A_369 = arith.constant 0 : i32
      %lt3A_370 = vector.broadcast %lt3A_369 : i32 to vector<16xi32>
      %lt3A_371 = arith.cmpi slt, %gather3A_368, %lt3A_370 : vector<16xi32>
      %select_n3A_372 = arith.select %lt3A_371, %broadcast_in_dim3A_137, %gather3A_368 : vector<16xi1>, vector<16xi32>
      %gather3A_373 = tpu.vector_load_idx %arg5[%select_n3A_372] : memref<1016xf32, #tpu.memory_space<vmem>>[vector<16xi32>], vector<16xf32>,
      %add3A_374 = arith.addf %add3A_327, %gather3A_373 : vector<16xf32>
      %add3A_375 = vector.broadcast %scan3A_365 : i32 to vector<16xi32>
      %add3A_376 = arith.addi %mul3A_81, %add3A_375 : vector<16xi32>
      %gather3A_377 = tpu.vector_load_idx %arg6[%add3A_376] : memref<25600xi32, #tpu.memory_space<vmem>>[vector<16xi32>], vector<16xi32>,
      %lt3A_378 = arith.constant 0 : i32
      %lt3A_379 = vector.broadcast %lt3A_378 : i32 to vector<16xi32>
      %lt3A_380 = arith.cmpi slt, %gather3A_377, %lt3A_379 : vector<16xi32>
      %select_n3A_381 = arith.select %lt3A_380, %broadcast_in_dim3A_137, %gather3A_377 : vector<16xi1>, vector<16xi32>
      %gather3A_382 = tpu.vector_load_idx %arg5[%select_n3A_381] : memref<1016xf32, #tpu.memory_space<vmem>>[vector<16xi32>], vector<16xf32>,
      %add3A_383 = arith.addf %add3A_336, %gather3A_382 : vector<16xf32>
      %add3A_384 = vector.broadcast %scan3A_365 : i32 to vector<16xi32>
      %add3A_385 = arith.addi %mul3A_87, %add3A_384 : vector<16xi32>
      %gather3A_386 = tpu.vector_load_idx %arg6[%add3A_385] : memref<25600xi32, #tpu.memory_space<vmem>>[vector<16xi32>], vector<16xi32>,
      %lt3A_387 = arith.constant 0 : i32
      %lt3A_388 = vector.broadcast %lt3A_387 : i32 to vector<16xi32>
      %lt3A_389 = arith.cmpi slt, %gather3A_386, %lt3A_388 : vector<16xi32>
      %select_n3A_390 = arith.select %lt3A_389, %broadcast_in_dim3A_137, %gather3A_386 : vector<16xi1>, vector<16xi32>
      %gather3A_391 = tpu.vector_load_idx %arg5[%select_n3A_390] : memref<1016xf32, #tpu.memory_space<vmem>>[vector<16xi32>], vector<16xf32>,
      %add3A_392 = arith.addf %add3A_345, %gather3A_391 : vector<16xf32>
      %add3A_393 = vector.broadcast %scan3A_365 : i32 to vector<16xi32>
      %add3A_394 = arith.addi %mul3A_93, %add3A_393 : vector<16xi32>
      %gather3A_395 = tpu.vector_load_idx %arg6[%add3A_394] : memref<25600xi32, #tpu.memory_space<vmem>>[vector<16xi32>], vector<16xi32>,
      %lt3A_396 = arith.constant 0 : i32
      %lt3A_397 = vector.broadcast %lt3A_396 : i32 to vector<16xi32>
      %lt3A_398 = arith.cmpi slt, %gather3A_395, %lt3A_397 : vector<16xi32>
      %select_n3A_399 = arith.select %lt3A_398, %broadcast_in_dim3A_137, %gather3A_395 : vector<16xi1>, vector<16xi32>
      %gather3A_400 = tpu.vector_load_idx %arg5[%select_n3A_399] : memref<1016xf32, #tpu.memory_space<vmem>>[vector<16xi32>], vector<16xf32>,
      %add3A_401 = arith.addf %add3A_354, %gather3A_400 : vector<16xf32>
      %add3A_402 = vector.broadcast %scan3A_365 : i32 to vector<16xi32>
      %add3A_403 = arith.addi %mul3A_99, %add3A_402 : vector<16xi32>
      %gather3A_404 = tpu.vector_load_idx %arg6[%add3A_403] : memref<25600xi32, #tpu.memory_space<vmem>>[vector<16xi32>], vector<16xi32>,
      %lt3A_405 = arith.constant 0 : i32
      %lt3A_406 = vector.broadcast %lt3A_405 : i32 to vector<16xi32>
      %lt3A_407 = arith.cmpi slt, %gather3A_404, %lt3A_406 : vector<16xi32>
      %select_n3A_408 = arith.select %lt3A_407, %broadcast_in_dim3A_137, %gather3A_404 : vector<16xi1>, vector<16xi32>
      %gather3A_409 = tpu.vector_load_idx %arg5[%select_n3A_408] : memref<1016xf32, #tpu.memory_space<vmem>>[vector<16xi32>], vector<16xf32>,
      %add3A_410 = arith.addf %add3A_363, %gather3A_409 : vector<16xf32>
      %scan3A_411 = arith.constant 2 : i32
      %scan3A_412 = arith.addi %scan3A_316, %scan3A_411 : i32
      %add3A_413 = vector.broadcast %scan3A_412 : i32 to vector<16xi32>
      %add3A_414 = arith.addi %mul3A_75, %add3A_413 : vector<16xi32>
      %gather3A_415 = tpu.vector_load_idx %arg6[%add3A_414] : memref<25600xi32, #tpu.memory_space<vmem>>[vector<16xi32>], vector<16xi32>,
      %lt3A_416 = arith.constant 0 : i32
      %lt3A_417 = vector.broadcast %lt3A_416 : i32 to vector<16xi32>
      %lt3A_418 = arith.cmpi slt, %gather3A_415, %lt3A_417 : vector<16xi32>
      %select_n3A_419 = arith.select %lt3A_418, %broadcast_in_dim3A_137, %gather3A_415 : vector<16xi1>, vector<16xi32>
      %gather3A_420 = tpu.vector_load_idx %arg5[%select_n3A_419] : memref<1016xf32, #tpu.memory_space<vmem>>[vector<16xi32>], vector<16xf32>,
      %add3A_421 = arith.addf %add3A_374, %gather3A_420 : vector<16xf32>
      %add3A_422 = vector.broadcast %scan3A_412 : i32 to vector<16xi32>
      %add3A_423 = arith.addi %mul3A_81, %add3A_422 : vector<16xi32>
      %gather3A_424 = tpu.vector_load_idx %arg6[%add3A_423] : memref<25600xi32, #tpu.memory_space<vmem>>[vector<16xi32>], vector<16xi32>,
      %lt3A_425 = arith.constant 0 : i32
      %lt3A_426 = vector.broadcast %lt3A_425 : i32 to vector<16xi32>
      %lt3A_427 = arith.cmpi slt, %gather3A_424, %lt3A_426 : vector<16xi32>
      %select_n3A_428 = arith.select %lt3A_427, %broadcast_in_dim3A_137, %gather3A_424 : vector<16xi1>, vector<16xi32>
      %gather3A_429 = tpu.vector_load_idx %arg5[%select_n3A_428] : memref<1016xf32, #tpu.memory_space<vmem>>[vector<16xi32>], vector<16xf32>,
      %add3A_430 = arith.addf %add3A_383, %gather3A_429 : vector<16xf32>
      %add3A_431 = vector.broadcast %scan3A_412 : i32 to vector<16xi32>
      %add3A_432 = arith.addi %mul3A_87, %add3A_431 : vector<16xi32>
      %gather3A_433 = tpu.vector_load_idx %arg6[%add3A_432] : memref<25600xi32, #tpu.memory_space<vmem>>[vector<16xi32>], vector<16xi32>,
      %lt3A_434 = arith.constant 0 : i32
      %lt3A_435 = vector.broadcast %lt3A_434 : i32 to vector<16xi32>
      %lt3A_436 = arith.cmpi slt, %gather3A_433, %lt3A_435 : vector<16xi32>
      %select_n3A_437 = arith.select %lt3A_436, %broadcast_in_dim3A_137, %gather3A_433 : vector<16xi1>, vector<16xi32>
      %gather3A_438 = tpu.vector_load_idx %arg5[%select_n3A_437] : memref<1016xf32, #tpu.memory_space<vmem>>[vector<16xi32>], vector<16xf32>,
      %add3A_439 = arith.addf %add3A_392, %gather3A_438 : vector<16xf32>
      %add3A_440 = vector.broadcast %scan3A_412 : i32 to vector<16xi32>
      %add3A_441 = arith.addi %mul3A_93, %add3A_440 : vector<16xi32>
      %gather3A_442 = tpu.vector_load_idx %arg6[%add3A_441] : memref<25600xi32, #tpu.memory_space<vmem>>[vector<16xi32>], vector<16xi32>,
      %lt3A_443 = arith.constant 0 : i32
      %lt3A_444 = vector.broadcast %lt3A_443 : i32 to vector<16xi32>
      %lt3A_445 = arith.cmpi slt, %gather3A_442, %lt3A_444 : vector<16xi32>
      %select_n3A_446 = arith.select %lt3A_445, %broadcast_in_dim3A_137, %gather3A_442 : vector<16xi1>, vector<16xi32>
      %gather3A_447 = tpu.vector_load_idx %arg5[%select_n3A_446] : memref<1016xf32, #tpu.memory_space<vmem>>[vector<16xi32>], vector<16xf32>,
      %add3A_448 = arith.addf %add3A_401, %gather3A_447 : vector<16xf32>
      %add3A_449 = vector.broadcast %scan3A_412 : i32 to vector<16xi32>
      %add3A_450 = arith.addi %mul3A_99, %add3A_449 : vector<16xi32>
      %gather3A_451 = tpu.vector_load_idx %arg6[%add3A_450] : memref<25600xi32, #tpu.memory_space<vmem>>[vector<16xi32>], vector<16xi32>,
      %lt3A_452 = arith.constant 0 : i32
      %lt3A_453 = vector.broadcast %lt3A_452 : i32 to vector<16xi32>
      %lt3A_454 = arith.cmpi slt, %gather3A_451, %lt3A_453 : vector<16xi32>
      %select_n3A_455 = arith.select %lt3A_454, %broadcast_in_dim3A_137, %gather3A_451 : vector<16xi1>, vector<16xi32>
      %gather3A_456 = tpu.vector_load_idx %arg5[%select_n3A_455] : memref<1016xf32, #tpu.memory_space<vmem>>[vector<16xi32>], vector<16xf32>,
      %add3A_457 = arith.addf %add3A_410, %gather3A_456 : vector<16xf32>
      %scan3A_458 = arith.constant 3 : i32
      %scan3A_459 = arith.addi %scan3A_316, %scan3A_458 : i32
      %add3A_460 = vector.broadcast %scan3A_459 : i32 to vector<16xi32>
      %add3A_461 = arith.addi %mul3A_75, %add3A_460 : vector<16xi32>
      %gather3A_462 = tpu.vector_load_idx %arg6[%add3A_461] : memref<25600xi32, #tpu.memory_space<vmem>>[vector<16xi32>], vector<16xi32>,
      %lt3A_463 = arith.constant 0 : i32
      %lt3A_464 = vector.broadcast %lt3A_463 : i32 to vector<16xi32>
      %lt3A_465 = arith.cmpi slt, %gather3A_462, %lt3A_464 : vector<16xi32>
      %select_n3A_466 = arith.select %lt3A_465, %broadcast_in_dim3A_137, %gather3A_462 : vector<16xi1>, vector<16xi32>
      %gather3A_467 = tpu.vector_load_idx %arg5[%select_n3A_466] : memref<1016xf32, #tpu.memory_space<vmem>>[vector<16xi32>], vector<16xf32>,
      %add3A_468 = arith.addf %add3A_421, %gather3A_467 : vector<16xf32>
      %add3A_469 = vector.broadcast %scan3A_459 : i32 to vector<16xi32>
      %add3A_470 = arith.addi %mul3A_81, %add3A_469 : vector<16xi32>
      %gather3A_471 = tpu.vector_load_idx %arg6[%add3A_470] : memref<25600xi32, #tpu.memory_space<vmem>>[vector<16xi32>], vector<16xi32>,
      %lt3A_472 = arith.constant 0 : i32
      %lt3A_473 = vector.broadcast %lt3A_472 : i32 to vector<16xi32>
      %lt3A_474 = arith.cmpi slt, %gather3A_471, %lt3A_473 : vector<16xi32>
      %select_n3A_475 = arith.select %lt3A_474, %broadcast_in_dim3A_137, %gather3A_471 : vector<16xi1>, vector<16xi32>
      %gather3A_476 = tpu.vector_load_idx %arg5[%select_n3A_475] : memref<1016xf32, #tpu.memory_space<vmem>>[vector<16xi32>], vector<16xf32>,
      %add3A_477 = arith.addf %add3A_430, %gather3A_476 : vector<16xf32>
      %add3A_478 = vector.broadcast %scan3A_459 : i32 to vector<16xi32>
      %add3A_479 = arith.addi %mul3A_87, %add3A_478 : vector<16xi32>
      %gather3A_480 = tpu.vector_load_idx %arg6[%add3A_479] : memref<25600xi32, #tpu.memory_space<vmem>>[vector<16xi32>], vector<16xi32>,
      %lt3A_481 = arith.constant 0 : i32
      %lt3A_482 = vector.broadcast %lt3A_481 : i32 to vector<16xi32>
      %lt3A_483 = arith.cmpi slt, %gather3A_480, %lt3A_482 : vector<16xi32>
      %select_n3A_484 = arith.select %lt3A_483, %broadcast_in_dim3A_137, %gather3A_480 : vector<16xi1>, vector<16xi32>
      %gather3A_485 = tpu.vector_load_idx %arg5[%select_n3A_484] : memref<1016xf32, #tpu.memory_space<vmem>>[vector<16xi32>], vector<16xf32>,
      %add3A_486 = arith.addf %add3A_439, %gather3A_485 : vector<16xf32>
      %add3A_487 = vector.broadcast %scan3A_459 : i32 to vector<16xi32>
      %add3A_488 = arith.addi %mul3A_93, %add3A_487 : vector<16xi32>
      %gather3A_489 = tpu.vector_load_idx %arg6[%add3A_488] : memref<25600xi32, #tpu.memory_space<vmem>>[vector<16xi32>], vector<16xi32>,
      %lt3A_490 = arith.constant 0 : i32
      %lt3A_491 = vector.broadcast %lt3A_490 : i32 to vector<16xi32>
      %lt3A_492 = arith.cmpi slt, %gather3A_489, %lt3A_491 : vector<16xi32>
      %select_n3A_493 = arith.select %lt3A_492, %broadcast_in_dim3A_137, %gather3A_489 : vector<16xi1>, vector<16xi32>
      %gather3A_494 = tpu.vector_load_idx %arg5[%select_n3A_493] : memref<1016xf32, #tpu.memory_space<vmem>>[vector<16xi32>], vector<16xf32>,
      %add3A_495 = arith.addf %add3A_448, %gather3A_494 : vector<16xf32>
      %add3A_496 = vector.broadcast %scan3A_459 : i32 to vector<16xi32>
      %add3A_497 = arith.addi %mul3A_99, %add3A_496 : vector<16xi32>
      %gather3A_498 = tpu.vector_load_idx %arg6[%add3A_497] : memref<25600xi32, #tpu.memory_space<vmem>>[vector<16xi32>], vector<16xi32>,
      %lt3A_499 = arith.constant 0 : i32
      %lt3A_500 = vector.broadcast %lt3A_499 : i32 to vector<16xi32>
      %lt3A_501 = arith.cmpi slt, %gather3A_498, %lt3A_500 : vector<16xi32>
      %select_n3A_502 = arith.select %lt3A_501, %broadcast_in_dim3A_137, %gather3A_498 : vector<16xi1>, vector<16xi32>
      %gather3A_503 = tpu.vector_load_idx %arg5[%select_n3A_502] : memref<1016xf32, #tpu.memory_space<vmem>>[vector<16xi32>], vector<16xf32>,
      %add3A_504 = arith.addf %add3A_457, %gather3A_503 : vector<16xf32>
      scf.yield %add3A_468, %add3A_477, %add3A_486, %add3A_495, %add3A_504 : vector<16xf32>, vector<16xf32>, vector<16xf32>, vector<16xf32>, vector<16xf32>
    }
    %scan3A_225 = arith.constant 100 : i32
    %swap3A_226 = arith.constant 80 : index
    %swap3A_227 = tpu.vector_load %arg7[%swap3A_226] {strides = array<i32>} : memref<256xf32, #tpu.memory_space<vmem>>, vector<16xf32>,
    tpu.vector_store %arg7[%swap3A_226], %scan3A_224#0 {strides = array<i32>} : memref<256xf32, #tpu.memory_space<vmem>>, vector<16xf32>,
    %swap3A_228 = arith.constant 96 : index
    %swap3A_229 = tpu.vector_load %arg7[%swap3A_228] {strides = array<i32>} : memref<256xf32, #tpu.memory_space<vmem>>, vector<16xf32>,
    tpu.vector_store %arg7[%swap3A_228], %scan3A_224#1 {strides = array<i32>} : memref<256xf32, #tpu.memory_space<vmem>>, vector<16xf32>,
    %swap3A_230 = arith.constant 112 : index
    %swap3A_231 = tpu.vector_load %arg7[%swap3A_230] {strides = array<i32>} : memref<256xf32, #tpu.memory_space<vmem>>, vector<16xf32>,
    tpu.vector_store %arg7[%swap3A_230], %scan3A_224#2 {strides = array<i32>} : memref<256xf32, #tpu.memory_space<vmem>>, vector<16xf32>,
    %swap3A_232 = arith.constant 128 : index
    %swap3A_233 = tpu.vector_load %arg7[%swap3A_232] {strides = array<i32>} : memref<256xf32, #tpu.memory_space<vmem>>, vector<16xf32>,
    tpu.vector_store %arg7[%swap3A_232], %scan3A_224#3 {strides = array<i32>} : memref<256xf32, #tpu.memory_space<vmem>>, vector<16xf32>,
    %swap3A_234 = arith.constant 144 : index
    %swap3A_235 = tpu.vector_load %arg7[%swap3A_234] {strides = array<i32>} : memref<256xf32, #tpu.memory_space<vmem>>, vector<16xf32>,
    tpu.vector_store %arg7[%swap3A_234], %scan3A_224#4 {strides = array<i32>} : memref<256xf32, #tpu.memory_space<vmem>>, vector<16xf32>,
    %mul3A_236 = arith.constant 256 : i32
    %mul3A_237 = arith.muli %add3A, %mul3A_236 : i32
    %add3A_238 = arith.constant 80 : i32
    %add3A_239 = arith.addi %mul3A_237, %add3A_238 : i32
    %dma_start3A_240 = arith.constant 80 : i32
    %dma_start3A_241 = tpu.memref_slice %arg7[%dma_start3A_240] : memref<256xf32, #tpu.memory_space<vmem>> -> memref<80xf32, #tpu.memory_space<vmem>>
    %dma_start3A_242 = tpu.memref_slice %arg4[%add3A_239] : memref<4096xf32, #tpu.memory_space<hbm>> -> memref<80xf32, #tpu.memory_space<hbm>>
    %dma_start3A_243 = tpu.memref_slice %arg4[%add3A_239] : memref<4096xf32, #tpu.memory_space<hbm>> -> memref<80xf32, #tpu.memory_space<hbm>>
    %dma_start3A_244 = arith.constant 80 : i32
    %dma_start3A_245 = tpu.memref_slice %arg7[%dma_start3A_244] : memref<256xf32, #tpu.memory_space<vmem>> -> memref<80xf32, #tpu.memory_space<vmem>>
    tpu.enqueue_dma source(%dma_start3A_245 : memref<80xf32, #tpu.memory_space<vmem>>) target(%dma_start3A_243 : memref<80xf32, #tpu.memory_space<hbm>>) target_semaphore(%arg13 : memref<!tpu.dma_semaphore, #tpu.memory_space<semaphore_mem>>)
    %broadcast_in_dim3A_246 = arith.constant 0.000000e+00 : f32
    %broadcast_in_dim3A_247 = vector.broadcast %broadcast_in_dim3A_246 : f32 to vector<16xf32>
    %broadcast_in_dim3A_248 = arith.constant 0.000000e+00 : f32
    %broadcast_in_dim3A_249 = vector.broadcast %broadcast_in_dim3A_248 : f32 to vector<16xf32>
    %broadcast_in_dim3A_250 = arith.constant 0.000000e+00 : f32
    %broadcast_in_dim3A_251 = vector.broadcast %broadcast_in_dim3A_250 : f32 to vector<16xf32>
    %broadcast_in_dim3A_252 = arith.constant 0.000000e+00 : f32
    %broadcast_in_dim3A_253 = vector.broadcast %broadcast_in_dim3A_252 : f32 to vector<16xf32>
    %broadcast_in_dim3A_254 = arith.constant 0.000000e+00 : f32
    %broadcast_in_dim3A_255 = vector.broadcast %broadcast_in_dim3A_254 : f32 to vector<16xf32>
    %broadcast_in_dim3A_256 = arith.constant 0.000000e+00 : f32
    %broadcast_in_dim3A_257 = vector.broadcast %broadcast_in_dim3A_256 : f32 to vector<16xf32>
    %dma_wait3A_258 = arith.constant 16000 : i32
    %dma_wait3A_259 = tpu.memref_slice %arg6[%dma_wait3A_258] : memref<25600xi32, #tpu.memory_space<vmem>> -> memref<9600xi32, #tpu.memory_space<vmem>>
    %dma_wait3A_260 = tpu.memref_slice %arg2[%add3A_31] : memref<409600xi32, #tpu.memory_space<hbm>> -> memref<9600xi32, #tpu.memory_space<hbm>>
    %dma_wait3A_261 = arith.constant 16000 : i32
    %dma_wait3A_262 = tpu.memref_slice %arg6[%dma_wait3A_261] : memref<25600xi32, #tpu.memory_space<vmem>> -> memref<9600xi32, #tpu.memory_space<vmem>>
    %dma_wait3A_263 = tpu.memref_slice %arg2[%add3A_31] : memref<409600xi32, #tpu.memory_space<hbm>> -> memref<9600xi32, #tpu.memory_space<hbm>>
    tpu.wait_dma2 semaphore(%arg11 : memref<!tpu.dma_semaphore, #tpu.memory_space<semaphore_mem>>) src(%dma_wait3A_263 : memref<9600xi32, #tpu.memory_space<hbm>>) dst(%dma_wait3A_262 : memref<9600xi32, #tpu.memory_space<vmem>>)
    %scan3A_264 = arith.constant 0 : i32
    %scan3A_265 = arith.constant 100 : i32
    %scan3A_266 = arith.addi %scan3A_264, %scan3A_265 : i32
    %scan3A_267 = arith.constant 4 : i32
    %scan3A_268:6 = scf.for %scan3A_316 = %scan3A_264 to %scan3A_266 step %scan3A_267 iter_args(%scan3A_317 = %broadcast_in_dim3A_247, %scan3A_318 = %broadcast_in_dim3A_249, %scan3A_319 = %broadcast_in_dim3A_251, %scan3A_320 = %broadcast_in_dim3A_253, %scan3A_321 = %broadcast_in_dim3A_255, %scan3A_322 = %broadcast_in_dim3A_257) -> (vector<16xf32>, vector<16xf32>, vector<16xf32>, vector<16xf32>, vector<16xf32>, vector<16xf32>)  : i32 {
      %add3A_323 = vector.broadcast %scan3A_316 : i32 to vector<16xi32>
      %add3A_324 = arith.addi %mul3A_105, %add3A_323 : vector<16xi32>
      %gather3A = tpu.vector_load_idx %arg6[%add3A_324] : memref<25600xi32, #tpu.memory_space<vmem>>[vector<16xi32>], vector<16xi32>,
      %lt3A = arith.constant 0 : i32
      %lt3A_325 = vector.broadcast %lt3A : i32 to vector<16xi32>
      %lt3A_326 = arith.cmpi slt, %gather3A, %lt3A_325 : vector<16xi32>
      %select_n3A = arith.select %lt3A_326, %broadcast_in_dim3A_137, %gather3A : vector<16xi1>, vector<16xi32>
      %gather3A_327 = tpu.vector_load_idx %arg5[%select_n3A] : memref<1016xf32, #tpu.memory_space<vmem>>[vector<16xi32>], vector<16xf32>,
      %add3A_328 = arith.addf %scan3A_317, %gather3A_327 : vector<16xf32>
      %add3A_329 = vector.broadcast %scan3A_316 : i32 to vector<16xi32>
      %add3A_330 = arith.addi %mul3A_111, %add3A_329 : vector<16xi32>
      %gather3A_331 = tpu.vector_load_idx %arg6[%add3A_330] : memref<25600xi32, #tpu.memory_space<vmem>>[vector<16xi32>], vector<16xi32>,
      %lt3A_332 = arith.constant 0 : i32
      %lt3A_333 = vector.broadcast %lt3A_332 : i32 to vector<16xi32>
      %lt3A_334 = arith.cmpi slt, %gather3A_331, %lt3A_333 : vector<16xi32>
      %select_n3A_335 = arith.select %lt3A_334, %broadcast_in_dim3A_137, %gather3A_331 : vector<16xi1>, vector<16xi32>
      %gather3A_336 = tpu.vector_load_idx %arg5[%select_n3A_335] : memref<1016xf32, #tpu.memory_space<vmem>>[vector<16xi32>], vector<16xf32>,
      %add3A_337 = arith.addf %scan3A_318, %gather3A_336 : vector<16xf32>
      %add3A_338 = vector.broadcast %scan3A_316 : i32 to vector<16xi32>
      %add3A_339 = arith.addi %mul3A_117, %add3A_338 : vector<16xi32>
      %gather3A_340 = tpu.vector_load_idx %arg6[%add3A_339] : memref<25600xi32, #tpu.memory_space<vmem>>[vector<16xi32>], vector<16xi32>,
      %lt3A_341 = arith.constant 0 : i32
      %lt3A_342 = vector.broadcast %lt3A_341 : i32 to vector<16xi32>
      %lt3A_343 = arith.cmpi slt, %gather3A_340, %lt3A_342 : vector<16xi32>
      %select_n3A_344 = arith.select %lt3A_343, %broadcast_in_dim3A_137, %gather3A_340 : vector<16xi1>, vector<16xi32>
      %gather3A_345 = tpu.vector_load_idx %arg5[%select_n3A_344] : memref<1016xf32, #tpu.memory_space<vmem>>[vector<16xi32>], vector<16xf32>,
      %add3A_346 = arith.addf %scan3A_319, %gather3A_345 : vector<16xf32>
      %add3A_347 = vector.broadcast %scan3A_316 : i32 to vector<16xi32>
      %add3A_348 = arith.addi %mul3A_123, %add3A_347 : vector<16xi32>
      %gather3A_349 = tpu.vector_load_idx %arg6[%add3A_348] : memref<25600xi32, #tpu.memory_space<vmem>>[vector<16xi32>], vector<16xi32>,
      %lt3A_350 = arith.constant 0 : i32
      %lt3A_351 = vector.broadcast %lt3A_350 : i32 to vector<16xi32>
      %lt3A_352 = arith.cmpi slt, %gather3A_349, %lt3A_351 : vector<16xi32>
      %select_n3A_353 = arith.select %lt3A_352, %broadcast_in_dim3A_137, %gather3A_349 : vector<16xi1>, vector<16xi32>
      %gather3A_354 = tpu.vector_load_idx %arg5[%select_n3A_353] : memref<1016xf32, #tpu.memory_space<vmem>>[vector<16xi32>], vector<16xf32>,
      %add3A_355 = arith.addf %scan3A_320, %gather3A_354 : vector<16xf32>
      %add3A_356 = vector.broadcast %scan3A_316 : i32 to vector<16xi32>
      %add3A_357 = arith.addi %mul3A_129, %add3A_356 : vector<16xi32>
      %gather3A_358 = tpu.vector_load_idx %arg6[%add3A_357] : memref<25600xi32, #tpu.memory_space<vmem>>[vector<16xi32>], vector<16xi32>,
      %lt3A_359 = arith.constant 0 : i32
      %lt3A_360 = vector.broadcast %lt3A_359 : i32 to vector<16xi32>
      %lt3A_361 = arith.cmpi slt, %gather3A_358, %lt3A_360 : vector<16xi32>
      %select_n3A_362 = arith.select %lt3A_361, %broadcast_in_dim3A_137, %gather3A_358 : vector<16xi1>, vector<16xi32>
      %gather3A_363 = tpu.vector_load_idx %arg5[%select_n3A_362] : memref<1016xf32, #tpu.memory_space<vmem>>[vector<16xi32>], vector<16xf32>,
      %add3A_364 = arith.addf %scan3A_321, %gather3A_363 : vector<16xf32>
      %add3A_365 = vector.broadcast %scan3A_316 : i32 to vector<16xi32>
      %add3A_366 = arith.addi %mul3A_135, %add3A_365 : vector<16xi32>
      %gather3A_367 = tpu.vector_load_idx %arg6[%add3A_366] : memref<25600xi32, #tpu.memory_space<vmem>>[vector<16xi32>], vector<16xi32>,
      %lt3A_368 = arith.constant 0 : i32
      %lt3A_369 = vector.broadcast %lt3A_368 : i32 to vector<16xi32>
      %lt3A_370 = arith.cmpi slt, %gather3A_367, %lt3A_369 : vector<16xi32>
      %select_n3A_371 = arith.select %lt3A_370, %broadcast_in_dim3A_137, %gather3A_367 : vector<16xi1>, vector<16xi32>
      %gather3A_372 = tpu.vector_load_idx %arg5[%select_n3A_371] : memref<1016xf32, #tpu.memory_space<vmem>>[vector<16xi32>], vector<16xf32>,
      %add3A_373 = arith.addf %scan3A_322, %gather3A_372 : vector<16xf32>
      %scan3A_374 = arith.constant 1 : i32
      %scan3A_375 = arith.addi %scan3A_316, %scan3A_374 : i32
      %add3A_376 = vector.broadcast %scan3A_375 : i32 to vector<16xi32>
      %add3A_377 = arith.addi %mul3A_105, %add3A_376 : vector<16xi32>
      %gather3A_378 = tpu.vector_load_idx %arg6[%add3A_377] : memref<25600xi32, #tpu.memory_space<vmem>>[vector<16xi32>], vector<16xi32>,
      %lt3A_379 = arith.constant 0 : i32
      %lt3A_380 = vector.broadcast %lt3A_379 : i32 to vector<16xi32>
      %lt3A_381 = arith.cmpi slt, %gather3A_378, %lt3A_380 : vector<16xi32>
      %select_n3A_382 = arith.select %lt3A_381, %broadcast_in_dim3A_137, %gather3A_378 : vector<16xi1>, vector<16xi32>
      %gather3A_383 = tpu.vector_load_idx %arg5[%select_n3A_382] : memref<1016xf32, #tpu.memory_space<vmem>>[vector<16xi32>], vector<16xf32>,
      %add3A_384 = arith.addf %add3A_328, %gather3A_383 : vector<16xf32>
      %add3A_385 = vector.broadcast %scan3A_375 : i32 to vector<16xi32>
      %add3A_386 = arith.addi %mul3A_111, %add3A_385 : vector<16xi32>
      %gather3A_387 = tpu.vector_load_idx %arg6[%add3A_386] : memref<25600xi32, #tpu.memory_space<vmem>>[vector<16xi32>], vector<16xi32>,
      %lt3A_388 = arith.constant 0 : i32
      %lt3A_389 = vector.broadcast %lt3A_388 : i32 to vector<16xi32>
      %lt3A_390 = arith.cmpi slt, %gather3A_387, %lt3A_389 : vector<16xi32>
      %select_n3A_391 = arith.select %lt3A_390, %broadcast_in_dim3A_137, %gather3A_387 : vector<16xi1>, vector<16xi32>
      %gather3A_392 = tpu.vector_load_idx %arg5[%select_n3A_391] : memref<1016xf32, #tpu.memory_space<vmem>>[vector<16xi32>], vector<16xf32>,
      %add3A_393 = arith.addf %add3A_337, %gather3A_392 : vector<16xf32>
      %add3A_394 = vector.broadcast %scan3A_375 : i32 to vector<16xi32>
      %add3A_395 = arith.addi %mul3A_117, %add3A_394 : vector<16xi32>
      %gather3A_396 = tpu.vector_load_idx %arg6[%add3A_395] : memref<25600xi32, #tpu.memory_space<vmem>>[vector<16xi32>], vector<16xi32>,
      %lt3A_397 = arith.constant 0 : i32
      %lt3A_398 = vector.broadcast %lt3A_397 : i32 to vector<16xi32>
      %lt3A_399 = arith.cmpi slt, %gather3A_396, %lt3A_398 : vector<16xi32>
      %select_n3A_400 = arith.select %lt3A_399, %broadcast_in_dim3A_137, %gather3A_396 : vector<16xi1>, vector<16xi32>
      %gather3A_401 = tpu.vector_load_idx %arg5[%select_n3A_400] : memref<1016xf32, #tpu.memory_space<vmem>>[vector<16xi32>], vector<16xf32>,
      %add3A_402 = arith.addf %add3A_346, %gather3A_401 : vector<16xf32>
      %add3A_403 = vector.broadcast %scan3A_375 : i32 to vector<16xi32>
      %add3A_404 = arith.addi %mul3A_123, %add3A_403 : vector<16xi32>
      %gather3A_405 = tpu.vector_load_idx %arg6[%add3A_404] : memref<25600xi32, #tpu.memory_space<vmem>>[vector<16xi32>], vector<16xi32>,
      %lt3A_406 = arith.constant 0 : i32
      %lt3A_407 = vector.broadcast %lt3A_406 : i32 to vector<16xi32>
      %lt3A_408 = arith.cmpi slt, %gather3A_405, %lt3A_407 : vector<16xi32>
      %select_n3A_409 = arith.select %lt3A_408, %broadcast_in_dim3A_137, %gather3A_405 : vector<16xi1>, vector<16xi32>
      %gather3A_410 = tpu.vector_load_idx %arg5[%select_n3A_409] : memref<1016xf32, #tpu.memory_space<vmem>>[vector<16xi32>], vector<16xf32>,
      %add3A_411 = arith.addf %add3A_355, %gather3A_410 : vector<16xf32>
      %add3A_412 = vector.broadcast %scan3A_375 : i32 to vector<16xi32>
      %add3A_413 = arith.addi %mul3A_129, %add3A_412 : vector<16xi32>
      %gather3A_414 = tpu.vector_load_idx %arg6[%add3A_413] : memref<25600xi32, #tpu.memory_space<vmem>>[vector<16xi32>], vector<16xi32>,
      %lt3A_415 = arith.constant 0 : i32
      %lt3A_416 = vector.broadcast %lt3A_415 : i32 to vector<16xi32>
      %lt3A_417 = arith.cmpi slt, %gather3A_414, %lt3A_416 : vector<16xi32>
      %select_n3A_418 = arith.select %lt3A_417, %broadcast_in_dim3A_137, %gather3A_414 : vector<16xi1>, vector<16xi32>
      %gather3A_419 = tpu.vector_load_idx %arg5[%select_n3A_418] : memref<1016xf32, #tpu.memory_space<vmem>>[vector<16xi32>], vector<16xf32>,
      %add3A_420 = arith.addf %add3A_364, %gather3A_419 : vector<16xf32>
      %add3A_421 = vector.broadcast %scan3A_375 : i32 to vector<16xi32>
      %add3A_422 = arith.addi %mul3A_135, %add3A_421 : vector<16xi32>
      %gather3A_423 = tpu.vector_load_idx %arg6[%add3A_422] : memref<25600xi32, #tpu.memory_space<vmem>>[vector<16xi32>], vector<16xi32>,
      %lt3A_424 = arith.constant 0 : i32
      %lt3A_425 = vector.broadcast %lt3A_424 : i32 to vector<16xi32>
      %lt3A_426 = arith.cmpi slt, %gather3A_423, %lt3A_425 : vector<16xi32>
      %select_n3A_427 = arith.select %lt3A_426, %broadcast_in_dim3A_137, %gather3A_423 : vector<16xi1>, vector<16xi32>
      %gather3A_428 = tpu.vector_load_idx %arg5[%select_n3A_427] : memref<1016xf32, #tpu.memory_space<vmem>>[vector<16xi32>], vector<16xf32>,
      %add3A_429 = arith.addf %add3A_373, %gather3A_428 : vector<16xf32>
      %scan3A_430 = arith.constant 2 : i32
      %scan3A_431 = arith.addi %scan3A_316, %scan3A_430 : i32
      %add3A_432 = vector.broadcast %scan3A_431 : i32 to vector<16xi32>
      %add3A_433 = arith.addi %mul3A_105, %add3A_432 : vector<16xi32>
      %gather3A_434 = tpu.vector_load_idx %arg6[%add3A_433] : memref<25600xi32, #tpu.memory_space<vmem>>[vector<16xi32>], vector<16xi32>,
      %lt3A_435 = arith.constant 0 : i32
      %lt3A_436 = vector.broadcast %lt3A_435 : i32 to vector<16xi32>
      %lt3A_437 = arith.cmpi slt, %gather3A_434, %lt3A_436 : vector<16xi32>
      %select_n3A_438 = arith.select %lt3A_437, %broadcast_in_dim3A_137, %gather3A_434 : vector<16xi1>, vector<16xi32>
      %gather3A_439 = tpu.vector_load_idx %arg5[%select_n3A_438] : memref<1016xf32, #tpu.memory_space<vmem>>[vector<16xi32>], vector<16xf32>,
      %add3A_440 = arith.addf %add3A_384, %gather3A_439 : vector<16xf32>
      %add3A_441 = vector.broadcast %scan3A_431 : i32 to vector<16xi32>
      %add3A_442 = arith.addi %mul3A_111, %add3A_441 : vector<16xi32>
      %gather3A_443 = tpu.vector_load_idx %arg6[%add3A_442] : memref<25600xi32, #tpu.memory_space<vmem>>[vector<16xi32>], vector<16xi32>,
      %lt3A_444 = arith.constant 0 : i32
      %lt3A_445 = vector.broadcast %lt3A_444 : i32 to vector<16xi32>
      %lt3A_446 = arith.cmpi slt, %gather3A_443, %lt3A_445 : vector<16xi32>
      %select_n3A_447 = arith.select %lt3A_446, %broadcast_in_dim3A_137, %gather3A_443 : vector<16xi1>, vector<16xi32>
      %gather3A_448 = tpu.vector_load_idx %arg5[%select_n3A_447] : memref<1016xf32, #tpu.memory_space<vmem>>[vector<16xi32>], vector<16xf32>,
      %add3A_449 = arith.addf %add3A_393, %gather3A_448 : vector<16xf32>
      %add3A_450 = vector.broadcast %scan3A_431 : i32 to vector<16xi32>
      %add3A_451 = arith.addi %mul3A_117, %add3A_450 : vector<16xi32>
      %gather3A_452 = tpu.vector_load_idx %arg6[%add3A_451] : memref<25600xi32, #tpu.memory_space<vmem>>[vector<16xi32>], vector<16xi32>,
      %lt3A_453 = arith.constant 0 : i32
      %lt3A_454 = vector.broadcast %lt3A_453 : i32 to vector<16xi32>
      %lt3A_455 = arith.cmpi slt, %gather3A_452, %lt3A_454 : vector<16xi32>
      %select_n3A_456 = arith.select %lt3A_455, %broadcast_in_dim3A_137, %gather3A_452 : vector<16xi1>, vector<16xi32>
      %gather3A_457 = tpu.vector_load_idx %arg5[%select_n3A_456] : memref<1016xf32, #tpu.memory_space<vmem>>[vector<16xi32>], vector<16xf32>,
      %add3A_458 = arith.addf %add3A_402, %gather3A_457 : vector<16xf32>
      %add3A_459 = vector.broadcast %scan3A_431 : i32 to vector<16xi32>
      %add3A_460 = arith.addi %mul3A_123, %add3A_459 : vector<16xi32>
      %gather3A_461 = tpu.vector_load_idx %arg6[%add3A_460] : memref<25600xi32, #tpu.memory_space<vmem>>[vector<16xi32>], vector<16xi32>,
      %lt3A_462 = arith.constant 0 : i32
      %lt3A_463 = vector.broadcast %lt3A_462 : i32 to vector<16xi32>
      %lt3A_464 = arith.cmpi slt, %gather3A_461, %lt3A_463 : vector<16xi32>
      %select_n3A_465 = arith.select %lt3A_464, %broadcast_in_dim3A_137, %gather3A_461 : vector<16xi1>, vector<16xi32>
      %gather3A_466 = tpu.vector_load_idx %arg5[%select_n3A_465] : memref<1016xf32, #tpu.memory_space<vmem>>[vector<16xi32>], vector<16xf32>,
      %add3A_467 = arith.addf %add3A_411, %gather3A_466 : vector<16xf32>
      %add3A_468 = vector.broadcast %scan3A_431 : i32 to vector<16xi32>
      %add3A_469 = arith.addi %mul3A_129, %add3A_468 : vector<16xi32>
      %gather3A_470 = tpu.vector_load_idx %arg6[%add3A_469] : memref<25600xi32, #tpu.memory_space<vmem>>[vector<16xi32>], vector<16xi32>,
      %lt3A_471 = arith.constant 0 : i32
      %lt3A_472 = vector.broadcast %lt3A_471 : i32 to vector<16xi32>
      %lt3A_473 = arith.cmpi slt, %gather3A_470, %lt3A_472 : vector<16xi32>
      %select_n3A_474 = arith.select %lt3A_473, %broadcast_in_dim3A_137, %gather3A_470 : vector<16xi1>, vector<16xi32>
      %gather3A_475 = tpu.vector_load_idx %arg5[%select_n3A_474] : memref<1016xf32, #tpu.memory_space<vmem>>[vector<16xi32>], vector<16xf32>,
      %add3A_476 = arith.addf %add3A_420, %gather3A_475 : vector<16xf32>
      %add3A_477 = vector.broadcast %scan3A_431 : i32 to vector<16xi32>
      %add3A_478 = arith.addi %mul3A_135, %add3A_477 : vector<16xi32>
      %gather3A_479 = tpu.vector_load_idx %arg6[%add3A_478] : memref<25600xi32, #tpu.memory_space<vmem>>[vector<16xi32>], vector<16xi32>,
      %lt3A_480 = arith.constant 0 : i32
      %lt3A_481 = vector.broadcast %lt3A_480 : i32 to vector<16xi32>
      %lt3A_482 = arith.cmpi slt, %gather3A_479, %lt3A_481 : vector<16xi32>
      %select_n3A_483 = arith.select %lt3A_482, %broadcast_in_dim3A_137, %gather3A_479 : vector<16xi1>, vector<16xi32>
      %gather3A_484 = tpu.vector_load_idx %arg5[%select_n3A_483] : memref<1016xf32, #tpu.memory_space<vmem>>[vector<16xi32>], vector<16xf32>,
      %add3A_485 = arith.addf %add3A_429, %gather3A_484 : vector<16xf32>
      %scan3A_486 = arith.constant 3 : i32
      %scan3A_487 = arith.addi %scan3A_316, %scan3A_486 : i32
      %add3A_488 = vector.broadcast %scan3A_487 : i32 to vector<16xi32>
      %add3A_489 = arith.addi %mul3A_105, %add3A_488 : vector<16xi32>
      %gather3A_490 = tpu.vector_load_idx %arg6[%add3A_489] : memref<25600xi32, #tpu.memory_space<vmem>>[vector<16xi32>], vector<16xi32>,
      %lt3A_491 = arith.constant 0 : i32
      %lt3A_492 = vector.broadcast %lt3A_491 : i32 to vector<16xi32>
      %lt3A_493 = arith.cmpi slt, %gather3A_490, %lt3A_492 : vector<16xi32>
      %select_n3A_494 = arith.select %lt3A_493, %broadcast_in_dim3A_137, %gather3A_490 : vector<16xi1>, vector<16xi32>
      %gather3A_495 = tpu.vector_load_idx %arg5[%select_n3A_494] : memref<1016xf32, #tpu.memory_space<vmem>>[vector<16xi32>], vector<16xf32>,
      %add3A_496 = arith.addf %add3A_440, %gather3A_495 : vector<16xf32>
      %add3A_497 = vector.broadcast %scan3A_487 : i32 to vector<16xi32>
      %add3A_498 = arith.addi %mul3A_111, %add3A_497 : vector<16xi32>
      %gather3A_499 = tpu.vector_load_idx %arg6[%add3A_498] : memref<25600xi32, #tpu.memory_space<vmem>>[vector<16xi32>], vector<16xi32>,
      %lt3A_500 = arith.constant 0 : i32
      %lt3A_501 = vector.broadcast %lt3A_500 : i32 to vector<16xi32>
      %lt3A_502 = arith.cmpi slt, %gather3A_499, %lt3A_501 : vector<16xi32>
      %select_n3A_503 = arith.select %lt3A_502, %broadcast_in_dim3A_137, %gather3A_499 : vector<16xi1>, vector<16xi32>
      %gather3A_504 = tpu.vector_load_idx %arg5[%select_n3A_503] : memref<1016xf32, #tpu.memory_space<vmem>>[vector<16xi32>], vector<16xf32>,
      %add3A_505 = arith.addf %add3A_449, %gather3A_504 : vector<16xf32>
      %add3A_506 = vector.broadcast %scan3A_487 : i32 to vector<16xi32>
      %add3A_507 = arith.addi %mul3A_117, %add3A_506 : vector<16xi32>
      %gather3A_508 = tpu.vector_load_idx %arg6[%add3A_507] : memref<25600xi32, #tpu.memory_space<vmem>>[vector<16xi32>], vector<16xi32>,
      %lt3A_509 = arith.constant 0 : i32
      %lt3A_510 = vector.broadcast %lt3A_509 : i32 to vector<16xi32>
      %lt3A_511 = arith.cmpi slt, %gather3A_508, %lt3A_510 : vector<16xi32>
      %select_n3A_512 = arith.select %lt3A_511, %broadcast_in_dim3A_137, %gather3A_508 : vector<16xi1>, vector<16xi32>
      %gather3A_513 = tpu.vector_load_idx %arg5[%select_n3A_512] : memref<1016xf32, #tpu.memory_space<vmem>>[vector<16xi32>], vector<16xf32>,
      %add3A_514 = arith.addf %add3A_458, %gather3A_513 : vector<16xf32>
      %add3A_515 = vector.broadcast %scan3A_487 : i32 to vector<16xi32>
      %add3A_516 = arith.addi %mul3A_123, %add3A_515 : vector<16xi32>
      %gather3A_517 = tpu.vector_load_idx %arg6[%add3A_516] : memref<25600xi32, #tpu.memory_space<vmem>>[vector<16xi32>], vector<16xi32>,
      %lt3A_518 = arith.constant 0 : i32
      %lt3A_519 = vector.broadcast %lt3A_518 : i32 to vector<16xi32>
      %lt3A_520 = arith.cmpi slt, %gather3A_517, %lt3A_519 : vector<16xi32>
      %select_n3A_521 = arith.select %lt3A_520, %broadcast_in_dim3A_137, %gather3A_517 : vector<16xi1>, vector<16xi32>
      %gather3A_522 = tpu.vector_load_idx %arg5[%select_n3A_521] : memref<1016xf32, #tpu.memory_space<vmem>>[vector<16xi32>], vector<16xf32>,
      %add3A_523 = arith.addf %add3A_467, %gather3A_522 : vector<16xf32>
      %add3A_524 = vector.broadcast %scan3A_487 : i32 to vector<16xi32>
      %add3A_525 = arith.addi %mul3A_129, %add3A_524 : vector<16xi32>
      %gather3A_526 = tpu.vector_load_idx %arg6[%add3A_525] : memref<25600xi32, #tpu.memory_space<vmem>>[vector<16xi32>], vector<16xi32>,
      %lt3A_527 = arith.constant 0 : i32
      %lt3A_528 = vector.broadcast %lt3A_527 : i32 to vector<16xi32>
      %lt3A_529 = arith.cmpi slt, %gather3A_526, %lt3A_528 : vector<16xi32>
      %select_n3A_530 = arith.select %lt3A_529, %broadcast_in_dim3A_137, %gather3A_526 : vector<16xi1>, vector<16xi32>
      %gather3A_531 = tpu.vector_load_idx %arg5[%select_n3A_530] : memref<1016xf32, #tpu.memory_space<vmem>>[vector<16xi32>], vector<16xf32>,
      %add3A_532 = arith.addf %add3A_476, %gather3A_531 : vector<16xf32>
      %add3A_533 = vector.broadcast %scan3A_487 : i32 to vector<16xi32>
      %add3A_534 = arith.addi %mul3A_135, %add3A_533 : vector<16xi32>
      %gather3A_535 = tpu.vector_load_idx %arg6[%add3A_534] : memref<25600xi32, #tpu.memory_space<vmem>>[vector<16xi32>], vector<16xi32>,
      %lt3A_536 = arith.constant 0 : i32
      %lt3A_537 = vector.broadcast %lt3A_536 : i32 to vector<16xi32>
      %lt3A_538 = arith.cmpi slt, %gather3A_535, %lt3A_537 : vector<16xi32>
      %select_n3A_539 = arith.select %lt3A_538, %broadcast_in_dim3A_137, %gather3A_535 : vector<16xi1>, vector<16xi32>
      %gather3A_540 = tpu.vector_load_idx %arg5[%select_n3A_539] : memref<1016xf32, #tpu.memory_space<vmem>>[vector<16xi32>], vector<16xf32>,
      %add3A_541 = arith.addf %add3A_485, %gather3A_540 : vector<16xf32>
      scf.yield %add3A_496, %add3A_505, %add3A_514, %add3A_523, %add3A_532, %add3A_541 : vector<16xf32>, vector<16xf32>, vector<16xf32>, vector<16xf32>, vector<16xf32>, vector<16xf32>
    }
    %scan3A_269 = arith.constant 100 : i32
    %swap3A_270 = arith.constant 160 : index
    %swap3A_271 = tpu.vector_load %arg7[%swap3A_270] {strides = array<i32>} : memref<256xf32, #tpu.memory_space<vmem>>, vector<16xf32>,
    tpu.vector_store %arg7[%swap3A_270], %scan3A_268#0 {strides = array<i32>} : memref<256xf32, #tpu.memory_space<vmem>>, vector<16xf32>,
    %swap3A_272 = arith.constant 176 : index
    %swap3A_273 = tpu.vector_load %arg7[%swap3A_272] {strides = array<i32>} : memref<256xf32, #tpu.memory_space<vmem>>, vector<16xf32>,
    tpu.vector_store %arg7[%swap3A_272], %scan3A_268#1 {strides = array<i32>} : memref<256xf32, #tpu.memory_space<vmem>>, vector<16xf32>,
    %swap3A_274 = arith.constant 192 : index
    %swap3A_275 = tpu.vector_load %arg7[%swap3A_274] {strides = array<i32>} : memref<256xf32, #tpu.memory_space<vmem>>, vector<16xf32>,
    tpu.vector_store %arg7[%swap3A_274], %scan3A_268#2 {strides = array<i32>} : memref<256xf32, #tpu.memory_space<vmem>>, vector<16xf32>,
    %swap3A_276 = arith.constant 208 : index
    %swap3A_277 = tpu.vector_load %arg7[%swap3A_276] {strides = array<i32>} : memref<256xf32, #tpu.memory_space<vmem>>, vector<16xf32>,
    tpu.vector_store %arg7[%swap3A_276], %scan3A_268#3 {strides = array<i32>} : memref<256xf32, #tpu.memory_space<vmem>>, vector<16xf32>,
    %swap3A_278 = arith.constant 224 : index
    %swap3A_279 = tpu.vector_load %arg7[%swap3A_278] {strides = array<i32>} : memref<256xf32, #tpu.memory_space<vmem>>, vector<16xf32>,
    tpu.vector_store %arg7[%swap3A_278], %scan3A_268#4 {strides = array<i32>} : memref<256xf32, #tpu.memory_space<vmem>>, vector<16xf32>,
    %swap3A_280 = arith.constant 240 : index
    %swap3A_281 = tpu.vector_load %arg7[%swap3A_280] {strides = array<i32>} : memref<256xf32, #tpu.memory_space<vmem>>, vector<16xf32>,
    tpu.vector_store %arg7[%swap3A_280], %scan3A_268#5 {strides = array<i32>} : memref<256xf32, #tpu.memory_space<vmem>>, vector<16xf32>,
    %mul3A_282 = arith.constant 256 : i32
    %mul3A_283 = arith.muli %add3A, %mul3A_282 : i32
    %add3A_284 = arith.constant 160 : i32
    %add3A_285 = arith.addi %mul3A_283, %add3A_284 : i32
    %dma_start3A_286 = arith.constant 160 : i32
    %dma_start3A_287 = tpu.memref_slice %arg7[%dma_start3A_286] : memref<256xf32, #tpu.memory_space<vmem>> -> memref<96xf32, #tpu.memory_space<vmem>>
    %dma_start3A_288 = tpu.memref_slice %arg4[%add3A_285] : memref<4096xf32, #tpu.memory_space<hbm>> -> memref<96xf32, #tpu.memory_space<hbm>>
    %dma_start3A_289 = tpu.memref_slice %arg4[%add3A_285] : memref<4096xf32, #tpu.memory_space<hbm>> -> memref<96xf32, #tpu.memory_space<hbm>>
    %dma_start3A_290 = arith.constant 160 : i32
    %dma_start3A_291 = tpu.memref_slice %arg7[%dma_start3A_290] : memref<256xf32, #tpu.memory_space<vmem>> -> memref<96xf32, #tpu.memory_space<vmem>>
    tpu.enqueue_dma source(%dma_start3A_291 : memref<96xf32, #tpu.memory_space<vmem>>) target(%dma_start3A_289 : memref<96xf32, #tpu.memory_space<hbm>>) target_semaphore(%arg13 : memref<!tpu.dma_semaphore, #tpu.memory_space<semaphore_mem>>)
    %dma_wait3A_292 = arith.constant 0 : i32
    %dma_wait3A_293 = tpu.memref_slice %arg7[%dma_wait3A_292] : memref<256xf32, #tpu.memory_space<vmem>> -> memref<32xf32, #tpu.memory_space<vmem>>
    %dma_wait3A_294 = tpu.memref_slice %arg4[%add3A_163] : memref<4096xf32, #tpu.memory_space<hbm>> -> memref<32xf32, #tpu.memory_space<hbm>>
    %dma_wait3A_295 = tpu.memref_slice %arg4[%add3A_163] : memref<4096xf32, #tpu.memory_space<hbm>> -> memref<32xf32, #tpu.memory_space<hbm>>
    %dma_wait3A_296 = arith.constant 0 : i32
    %dma_wait3A_297 = tpu.memref_slice %arg7[%dma_wait3A_296] : memref<256xf32, #tpu.memory_space<vmem>> -> memref<32xf32, #tpu.memory_space<vmem>>
    tpu.wait_dma2 semaphore(%arg13 : memref<!tpu.dma_semaphore, #tpu.memory_space<semaphore_mem>>) src(%dma_wait3A_297 : memref<32xf32, #tpu.memory_space<vmem>>) dst(%dma_wait3A_295 : memref<32xf32, #tpu.memory_space<hbm>>)
    %dma_wait3A_298 = arith.constant 32 : i32
    %dma_wait3A_299 = tpu.memref_slice %arg7[%dma_wait3A_298] : memref<256xf32, #tpu.memory_space<vmem>> -> memref<48xf32, #tpu.memory_space<vmem>>
    %dma_wait3A_300 = tpu.memref_slice %arg4[%add3A_197] : memref<4096xf32, #tpu.memory_space<hbm>> -> memref<48xf32, #tpu.memory_space<hbm>>
    %dma_wait3A_301 = tpu.memref_slice %arg4[%add3A_197] : memref<4096xf32, #tpu.memory_space<hbm>> -> memref<48xf32, #tpu.memory_space<hbm>>
    %dma_wait3A_302 = arith.constant 32 : i32
    %dma_wait3A_303 = tpu.memref_slice %arg7[%dma_wait3A_302] : memref<256xf32, #tpu.memory_space<vmem>> -> memref<48xf32, #tpu.memory_space<vmem>>
    tpu.wait_dma2 semaphore(%arg13 : memref<!tpu.dma_semaphore, #tpu.memory_space<semaphore_mem>>) src(%dma_wait3A_303 : memref<48xf32, #tpu.memory_space<vmem>>) dst(%dma_wait3A_301 : memref<48xf32, #tpu.memory_space<hbm>>)
    %dma_wait3A_304 = arith.constant 80 : i32
    %dma_wait3A_305 = tpu.memref_slice %arg7[%dma_wait3A_304] : memref<256xf32, #tpu.memory_space<vmem>> -> memref<80xf32, #tpu.memory_space<vmem>>
    %dma_wait3A_306 = tpu.memref_slice %arg4[%add3A_239] : memref<4096xf32, #tpu.memory_space<hbm>> -> memref<80xf32, #tpu.memory_space<hbm>>
    %dma_wait3A_307 = tpu.memref_slice %arg4[%add3A_239] : memref<4096xf32, #tpu.memory_space<hbm>> -> memref<80xf32, #tpu.memory_space<hbm>>
    %dma_wait3A_308 = arith.constant 80 : i32
    %dma_wait3A_309 = tpu.memref_slice %arg7[%dma_wait3A_308] : memref<256xf32, #tpu.memory_space<vmem>> -> memref<80xf32, #tpu.memory_space<vmem>>
    tpu.wait_dma2 semaphore(%arg13 : memref<!tpu.dma_semaphore, #tpu.memory_space<semaphore_mem>>) src(%dma_wait3A_309 : memref<80xf32, #tpu.memory_space<vmem>>) dst(%dma_wait3A_307 : memref<80xf32, #tpu.memory_space<hbm>>)
    %dma_wait3A_310 = arith.constant 160 : i32
    %dma_wait3A_311 = tpu.memref_slice %arg7[%dma_wait3A_310] : memref<256xf32, #tpu.memory_space<vmem>> -> memref<96xf32, #tpu.memory_space<vmem>>
    %dma_wait3A_312 = tpu.memref_slice %arg4[%add3A_285] : memref<4096xf32, #tpu.memory_space<hbm>> -> memref<96xf32, #tpu.memory_space<hbm>>
    %dma_wait3A_313 = tpu.memref_slice %arg4[%add3A_285] : memref<4096xf32, #tpu.memory_space<hbm>> -> memref<96xf32, #tpu.memory_space<hbm>>
    %dma_wait3A_314 = arith.constant 160 : i32
    %dma_wait3A_315 = tpu.memref_slice %arg7[%dma_wait3A_314] : memref<256xf32, #tpu.memory_space<vmem>> -> memref<96xf32, #tpu.memory_space<vmem>>
    tpu.wait_dma2 semaphore(%arg13 : memref<!tpu.dma_semaphore, #tpu.memory_space<semaphore_mem>>) src(%dma_wait3A_315 : memref<96xf32, #tpu.memory_space<vmem>>) dst(%dma_wait3A_313 : memref<96xf32, #tpu.memory_space<hbm>>)
    return
  }
}

</mosaic_0001>

<sc_bundles>
// kernel: _score.3.cloned.1.call-start
scs
__scs_entry_jumppad:
0x0: {  	(pc) =	sbr.rel $0x88, $3  }
0x1: {  	(tag) =	ssettag $0x0;
	lr =	simm.s32 $0x1  }
0x2: {  	[smem:$0x3F9F] =	sst lr;
	_ =	strace $0xD0000000  }
0x3: {  	_ = 	snop  }
0x4: {  	_ = 	snop  }
0x5: {  	_ = 	snop  }
0x6: {  	_ = 	snop  }
0x7: {  	_ = 	snop  }
__scs_overlays_trampoline_lowered:
0x8: {  	[smem:$0x3FAE] =	sst s0  }
0x9: {  	[smem:$0x3FAF] =	sst s1  }
0xa: {  	[smem:$0x3FB0] =	sst s2  }
0xb: {  	[smem:$0x3FB1] =	sst s3  }
0xc: {  	[smem:$0x3FB2] =	sst s4  }
0xd: {  	[smem:$0x3FB3] =	sst s5  }
0xe: {  	[smem:$0x3FB4] =	sst s6  }
0xf: {  	[smem:$0x3FB5] =	sst s7  }
0x10: {  	[smem:$0x3FB6] =	sst s8  }
0x11: {  	[smem:$0x3FB7] =	sst s9;
	s0 =	simm.s32 @!p0 $0x0  }
0x12: {  	s1 =	sld [smem:$0x3F9D];
	s0 =	simm.s32 @p0 $0x1  }
0x13: {  	[smem:$0x3FB8] =	sst s0;
	s0 =	simm.s32 @!p1 $0x0  }
0x14: {  	s2 =	sld [smem:$0x3F9C];
	s0 =	simm.s32 @p1 $0x1  }
0x15: {  	[smem:$0x3FB9] =	sst s0;
	s0 =	simm.s32 @!p2 $0x0  }
0x16: {  	s3 =	sld [smem:$0x3FDB];
	s0 =	simm.s32 @p2 $0x1  }
0x17: {  	s4 =	simm.s32 $0x1BF5;
	[smem:$0x3FBB] =	sst s0  }
0x18: {  	s0 =	sld [smem:$0x3F9E];
	_ =	swait.ge [sflag:s4], $0x0  }
0x19: {  	s7 =	sld [smem:$0x3F9F]  }
0x1a: {  	s8 =	sadd.s32 $0xFFFFE003, lr  }
0x1b: {  	s9 =	sadd.s32 $0xFFFFFEF7, lr;
	s5 =	simm.s32 $0xFFFFFFFF;
	p2 =	slt.u32 s8, $0xFFFFF086  }
0x1c: {  	p1 =	slt.u32 s9, $0xF7A;
	s5 =	simm.s32 @!p2 $0x0  }
0x1d: {  	s5 =	simm.s32 @p1 $0x1;
	p0 =	seq.s32 s7, s2  }
0x1e: {  	s7 =	smul.u32 @!p0 $0xF7A, s2;
	p2 =	seq.s32 @!p0 s5, $0x0  }
0x1f: {  	s9 =	smul.u32 $0xF7A, s1;
	s8 =	simm.s32 @!p0 $0x1BF5;
	p2 =	por !p2, p0  }
0x20: {  	[sflag:s8] =	ssyncset.s32 @!p0 $0xFFFFF086;
	s6 =	sadd.s32 @!p0 s3, s7;
	s7 =	simm.s32 @!p0 $0x108  }
0x21: {  	s3 =	sadd.s32 s3, s9;
	s6 =	sadd.s32 @!p0 $0x88, s6;
	s7 =	simm.s32 @p2 $0x1082  }
0x22: {  	[simem:s7], [sflag:s8] =	dma.local @!p0 [hbm:s6], $0xF7A  }
0x23: {  	s9 =	sor.u32 $0xD0000000, s2;
	s6 =	simm.s32 $0x108;
	_ =	swait.ge @!p0 [sflag:s8], $0x0  }
0x24: {  	s3 =	sadd.s32 $0x88, s3;
	s6 =	simm.s32 @!p1 $0x1082;
	[sflag:s4] =	ssyncset.s32 $0xFFFFF086  }
0x25: {  	[simem:s6], [sflag:s4] =	dma.local [hbm:s3], $0xF7A  }
0x26: {  	[smem:$0x3F9F] =	sst s1;
	(tag) =	ssettag s2;
	_ =	strace s9  }
0x27: {  	s1 =	sld [smem:$0x3FAF]  }
0x28: {  	s2 =	sld [smem:$0x3FB0]  }
0x29: {  	s4 =	sld [smem:$0x3FB2]  }
0x2a: {  	p0 =	seq.s32 s5, $0x0;
	s5 =	sld [smem:$0x3FB3]  }
0x2b: {  	s6 =	sld [smem:$0x3FB4]  }
0x2c: {  	s7 =	sld [smem:$0x3FB5]  }
0x2d: {  	s3 =	simm.s32 $0x108;
	s8 =	sld [smem:$0x3FB6]  }
0x2e: {  	s3 =	simm.s32 @!p0 $0x1082;
	s9 =	sld [smem:$0x3FB7]  }
0x2f: {  	lr =	sadd.s32 s0, s3;
	s0 =	sld [smem:$0x3FAE]  }
0x30: {  	s3 =	sld [smem:$0x3FB1]  }
0x31: {  	[smem:$0x3FBA] =	sst s10  }
0x32: {  	s10 =	sld [smem:$0x3FB8];
	_ =	sdelay $0x3  }
0x33: {  	p0 =	seq.s32 s10, $0x1;
	s10 =	sld [smem:$0x3FBA];
	_ =	sdelay $0x3  }
0x34: {  	[smem:$0x3FBA] =	sst s10  }
0x35: {  	s10 =	sld [smem:$0x3FB9];
	_ =	sdelay $0x3  }
0x36: {  	p1 =	seq.s32 s10, $0x1;
	s10 =	sld [smem:$0x3FBA];
	_ =	sdelay $0x3  }
0x37: {  	[smem:$0x3FBA] =	sst s10  }
0x38: {  	s10 =	sld [smem:$0x3FBB]  }
0x39: {  	_ = 	snop;
	(pc) =	sbr.ind lr, $3  }
0x3a: {  	_ = 	snop  }
0x3b: {  	_ = 	snop  }
0x3c: {  	p2 =	seq.s32 s10, $0x1;
	s10 =	sld [smem:$0x3FBA]  }
0x3d: {  	_ =	shalt  }
0x3e: {  	_ =	shalt  }
0x3f: {  	_ =	shalt  }
0x40: {  	_ =	shalt  }
0x41: {  	_ =	shalt  }
0x42: {  	_ =	shalt  }
0x43: {  	_ =	shalt  }
0x44: {  	_ =	shalt  }
0x45: {  	_ =	shalt  }
0x46: {  	_ =	shalt  }
0x47: {  	_ =	shalt  }
0x48: {  	_ =	shalt  }
0x49: {  	_ =	shalt  }
0x4a: {  	_ =	shalt  }
0x4b: {  	_ =	shalt  }
0x4c: {  	_ =	shalt  }
0x4d: {  	_ =	shalt  }
0x4e: {  	_ =	shalt  }
0x4f: {  	_ =	shalt  }
0x50: {  	_ =	shalt  }
0x51: {  	_ =	shalt  }
0x52: {  	_ =	shalt  }
0x53: {  	_ =	shalt  }
0x54: {  	_ =	shalt  }
0x55: {  	_ =	shalt  }
0x56: {  	_ =	shalt  }
0x57: {  	_ =	shalt  }
0x58: {  	_ =	shalt  }
0x59: {  	_ =	shalt  }
0x5a: {  	_ =	shalt  }
0x5b: {  	_ =	shalt  }
0x5c: {  	_ =	shalt  }
0x5d: {  	_ =	shalt  }
0x5e: {  	_ =	shalt  }
0x5f: {  	_ =	shalt  }
0x60: {  	_ =	shalt  }
0x61: {  	_ =	shalt  }
0x62: {  	_ =	shalt  }
0x63: {  	_ =	shalt  }
0x64: {  	_ =	shalt  }
0x65: {  	_ =	shalt  }
0x66: {  	_ =	shalt  }
0x67: {  	_ =	shalt  }
0x68: {  	_ =	shalt  }
0x69: {  	_ =	shalt  }
0x6a: {  	_ =	shalt  }
0x6b: {  	_ =	shalt  }
0x6c: {  	_ =	shalt  }
0x6d: {  	_ =	shalt  }
0x6e: {  	_ =	shalt  }
0x6f: {  	_ =	shalt  }
0x70: {  	_ =	shalt  }
0x71: {  	_ =	shalt  }
0x72: {  	_ =	shalt  }
0x73: {  	_ =	shalt  }
0x74: {  	_ =	shalt  }
0x75: {  	_ =	shalt  }
0x76: {  	_ =	shalt  }
0x77: {  	_ =	shalt  }
0x78: {  	_ =	shalt  }
0x79: {  	_ =	shalt  }
0x7a: {  	_ =	shalt  }
0x7b: {  	_ =	shalt  }
0x7c: {  	_ =	shalt  }
0x7d: {  	_ =	shalt  }
0x7e: {  	_ =	shalt  }
0x7f: {  	_ =	shalt  }
0x80: {  	_ =	shalt  }
0x81: {  	_ =	shalt  }
0x82: {  	_ =	shalt  }
0x83: {  	_ =	shalt  }
0x84: {  	_ =	shalt  }
0x85: {  	_ =	shalt  }
0x86: {  	_ =	shalt  }
0x87: {  	_ =	shalt  }
.Lfunc_end0:
.L_simem_size_0:
called_computation_lowered:
.L_overlay_start_0:
0x88: {  	s0 =	sld [smem:$0x3FD9]  }
0x89: {  	s1 =	sld [smem:$0x3FFE];
	_ =	sdelay $0x3  }
0x8a: {  	s0 =	sadd.s32 s1, s0  }
0x8b: {  	[smem:$0x3FC6] =	sst s0  }
0x8c: {  	_ = 	snop  }
0x8d: {  	s0 =	sld [smem:$0x3FC8]  }
0x8e: {  	s16 =	sld [smem:$0x3FD0];
	(tm) =	ssettm $0x1  }
0x8f: {  	s2 =	sld [smem:$0x3FFB];
	_ =	sdelay $0x3  }
0x90: {  	_ =	strace s2  }
0x91: {  	s2 =	sld [smem:$0x3FFC];
	_ =	sdelay $0x3  }
0x92: {  	_ =	strace s2  }
0x93: {  	s2 =	sld [smem:$0x3FFD];
	_ =	sdelay $0x3  }
0x94: {  	_ =	strace s2  }
0x95: {  	_ =	strace $0x8FFFFFFF  }
0x96: {  	s17 =	sld [smem:$0x3FDB];
	_ =	sdelay $0x1  }
0x97: {  	s3 =	simm.s32 $_scs_section_size  }
0x98: {  	s4 =	simm.s32 $_size__tile_overlayer_lowered;
	s5 =	simm.s32 $_tile_overlayer_lowered  }
0x99: {  	s20 =	simm.s32 $0x1BFF;
	s19 =	sshll.u32 s5, $0x1;
	s2 =	sadd.s32 s3, s17  }
0x9a: {  	s6 =	simm.s32 $0x0;
	s18 =	sshll.u32 s4, $0x1;
	s4 =	sadd.s32 s19, s2  }
0x9b: {  	[timem:s6], [sflag:s20] =	dma.local [hbm:s4], s18  }
0x9c: {  	_ =	swait.ge [sflag:s20], s18  }
0x9d: {  	s3 =	ssub.s32 $0x0, s18;
	[sflag:s20] =	ssyncset.done $0x0  }
0x9e: {  	[sflag:s20] =	ssyncadd.s32 s3;
	_ =	sdelay $0x1  }
0x9f: {  	s21 =	simm.s32 $0x1B8B  }
0xa0: {  	_ =	swait.ge [sflag:s21], $0x1  }
0xa1: {  	[sflag:s21] =	ssyncset.done $0x0  }
0xa2: {  	s23 =	simm.s32 $0x1B8E;
	s22 =	sld [smem:$0x3FFE];
	[sflag:s21] =	ssyncadd.s32 $0xFFFFFFFF  }
0xa3: {  	s24 =	simm.s32 $execute0_lowered;
	[smem:$0x3FD2] =	sst s23  }
0xa4: {  	s4 =	sshll.u32 s24, $0x1;
	_ =	strace $0x80000046;
	[dreg:$0x1] =	wrdreg $0xFFFFFFFF  }
0xa5: {  	s25 =	simm.s32 $_size_execute0_lowered;
	s2 =	sadd.s32 s2, s4;
	[dreg:$0x0] =	wrdreg $0x0  }
0xa6: {  	s4 =	sshll.u32 s25, $0x1;
	[dreg:$0x2] =	wrdreg s2  }
0xa7: {  	[dreg:$0x3] =	wrdreg s4  }
0xa8: {  	[dreg:$0x4] =	wrdreg $0xC0  }
0xa9: {  	_ =	task [dreg:s6], $0x5FFFF  }
0xaa: {  	[dreg:$0x1] =	wrdreg $0xFFFFFFFF  }
0xab: {  	[dreg:$0x0] =	wrdreg $0x60  }
0xac: {  	[dreg:$0x2] =	wrdreg s22  }
0xad: {  	[dreg:$0x3] =	wrdreg s0  }
0xae: {  	[dreg:$0x4] =	wrdreg s16  }
0xaf: {  	[dreg:$0x5] =	wrdreg $0x9  }
0xb0: {  	_ =	task.clear_ibuf [dreg:s6], $0x6FFFF;
	_ =	strace $0x90000046  }
0xb1: {  	s26 =	simm.s32 $0x9;
	_ =	strace $0x80000048  }
0xb2: {  	_ =	swait.ge [sflag:s26], $0x1  }
0xb3: {  	[sflag:s26] =	ssyncadd.s32 $0xFFFFFFFF  }
0xb4: {  	_ =	strace $0x90000048  }
0xb5: {  	_ =	sfence  }
0xb6: {  	s28 =	sld [smem:$0x0];
	_ =	sdelay $0x1  }
0xb7: {  	s29 =	srdreg.scid  }
0xb8: {  	s30 =	sshll.u32 s29, $0xD;
	s31 =	sshrl.u32 s29, $0x2  }
0xb9: {  	s1 =	sand.u32 $0x1, s29;
	s2 =	sand.u32 $0x4000, s30;
	s0 =	sadd.s32 s31, s28  }
0xba: {  	s1 =	sor.u32 s2, s1;
	s0 =	sshll.u32 s0, $0x11  }
0xbb: {  	s0 =	sor.u32 s0, s1  }
0xbc: {  	s0 =	sadd.s32 $0x8F2B, s0  }
0xbd: {  	[sflag:s0] =	ssyncadd.remote.s32 $0x1  }
0xbe: {  	_ =	sfence.sel $0xFFFF  }
0xbf: {  	[dreg:$0x0] =	wrdreg $0xFFFFFFFF;
	(pc) =	sbr.abs _section_cstart, $3  }
0xc0: {  	[dreg:$0x1] =	wrdreg $0xFFFFFFFF  }
0xc1: {  	_ =	task.clear_ibuf [dreg:s6], $0x2FFFF;
	_ =	strace $0x9FFFFFFF  }
0xc2: {  	(tm) =	ssettm $0x7FFFFFFF  }
0xc3: {  	_ =	shalt  }
tec
execute0_lowered:
.L_overlay_start_1:
0x0: {  	(tag) =	ssettag $0x1  }
0x1: {  	s4 =	rddreg [dreg:$0x0]  }
0x2: {  	s5 =	rddreg [dreg:$0x1];
	s0 =	stileid.u32  }
0x3: {  	s2 =	rddreg [dreg:$0x2];
	s3 =	simm.s32 $0x0;
	s6 =	smul.u32 $0x6400, s0  }
0x4: {  	[smem:$0x7FF] =	sst s3  }
0x5: {  	s1 =	rddreg [dreg:$0x3];
	_ =	strace $0x80000047;
	s6 =	sshrl.u32 s6, $0x3  }
0x6: {  	[tilespmem:s3], [sflag:$0x5] =	stream.linear.gather [hbm4b:s5+s3], $0x3E8, $0x38;
	[tilespmem:$0x6900] =	vst v63  }
0x7: {  	s6 =	sadd.s32 s6, s4  }
0x8: {  	s4 =	simm.s32 $0x400;
	s19 =	sadd.s32 $0x400, s6  }
0x9: {  	[tilespmem:s4], [sflag:$0x1] =	stream.linear.gather [hbm4b:s19+s3], $0xC80, $0x38;
	[tilespmem:$0x6900] =	vst v63  }
0xa: {  	s7 =	simm.s32 $0x1080;
	s20 =	sadd.s32 $0x590, s6  }
0xb: {  	[tilespmem:s7], [sflag:$0x2] =	stream.linear.gather [hbm4b:s20+s3], $0x12C0, $0x38;
	[tilespmem:$0x6900] =	vst v63  }
0xc: {  	s22 =	simm.s32 $0x2340;
	s21 =	sadd.s32 $0x7E8, s6  }
0xd: {  	[tilespmem:s22], [sflag:$0x3] =	stream.linear.gather [hbm4b:s21+s3], $0x1F40, $0x38;
	[tilespmem:$0x6900] =	vst v63  }
0xe: {  	s24 =	simm.s32 $0x4280;
	s23 =	sadd.s32 $0xBD0, s6  }
0xf: {  	v2 =	vimm.f32 $0.0e+00;
	v0 =	vlaneseq.u32;
	[tilespmem:s24], [sflag:$0x4] =	stream.linear.gather [hbm4b:s23+s3], $0x2580, $0x38;
	[tilespmem:$0x6900] =	vst v63  }
0x10: {  	s25 =	simm.s32 $0x5;
	v0 =	vmul.u32 $0x64, v0;
	[tilespmem:$0x3E8] =	vst v2  }
0x11: {  	_ =	swait.ge [sflag:s25], $0x3E8  }
0x12: {  	v1 =	vadd.s32 $0x640, v0;
	v3 =	vadd.s32 s3, v0;
	[sflag:s25] =	ssyncset.done $0x0  }
0x13: {  	s26 =	simm.s32 $0x1;
	s28 =	simm.s32 $0x1;
	v4 =	vadd.s32 s3, v1;
	[sflag:s25] =	ssyncadd.s32 $0xFFFFFC18  }
0x14: {  	v5 =	vadd.s32 s28, v0;
	_ =	swait.ge [sflag:s26], $0xC80  }
0x15: {  	s29 =	simm.s32 $0x2;
	v6 =	vadd.s32 s28, v1;
	[sflag:s26] =	ssyncset.done $0x0  }
0x16: {  	v7 =	vadd.s32 s29, v0;
	[sflag:s26] =	ssyncadd.s32 $0xFFFFF380  }
0x17: {  	s30 =	simm.s32 $0x3;
	v8 =	vadd.s32 s29, v1;
	v3 =	vld.idx.msk [tilespmem:v3+s4+$0x0], $0xffff  }
0x18: {  	v9 =	vadd.s32 s30, v0;
	v4 =	vld.idx.msk [tilespmem:v4+s4+$0x0], $0xffff  }
0x19: {  	s5 =	simm.s32 $0x4;
	v10 =	vld.idx.msk [tilespmem:v5+s4+$0x0], $0xffff;
	v5 =	vadd.s32 s30, v1  }
0x1a: {  	v11 =	vld.idx.msk [tilespmem:v6+s4+$0x0], $0xffff;
	v6 =	vadd.s32 s5, v0  }
0x1b: {  	s31 =	simm.s32 $0x5;
	v13 =	vadd.s32 s5, v1;
	v7 =	vld.idx.msk [tilespmem:v7+s4+$0x0], $0xffff  }
0x1c: {  	v14 =	vadd.s32 s31, v0;
	v16 =	vld.idx.msk [tilespmem:v8+s4+$0x0], $0xffff  }
0x1d: {  	v15 =	vadd.s32 s31, v1;
	v9 =	vld.idx.msk [tilespmem:v9+s4+$0x0], $0xffff;
	vm0 =	vlt.s32 v3, $0x0  }
0x1e: {  	v8 =	vld.idx.msk [tilespmem:v5+s4+$0x0], $0xffff;
	v17 =	vsel vm0, $0x3E8, v3;
	vm0 =	vlt.s32 v4, $0x0  }
0x1f: {  	v5 =	vld.idx.msk [tilespmem:v6+s4+$0x0], $0xffff;
	v12 =	vsel vm0, $0x3E8, v4;
	vm0 =	vlt.s32 v10, $0x0  }
0x20: {  	v6 =	vld.idx.msk [tilespmem:v13+s4+$0x0], $0xffff;
	vm1 =	vlt.s32 v11, $0x0;
	v13 =	vsel vm0, $0x3E8, v10  }
0x21: {  	v4 =	vld.idx.msk [tilespmem:v14+s4+$0x0], $0xffff;
	v14 =	vsel vm1, $0x3E8, v11;
	vm0 =	vlt.s32 v7, $0x0  }
0x22: {  	v3 =	vld.idx.msk [tilespmem:v15+s4+$0x0], $0xffff;
	v15 =	vsel vm0, $0x3E8, v7;
	vm0 =	vlt.s32 v16, $0x0  }
0x23: {  	s6 =	simm.s32 $0x8;
	v7 =	vimm.f32 $0.0e+00;
	v11 =	vsel vm0, $0x3E8, v16;
	vm0 =	vlt.s32 v9, $0x0;
	v10 =	vld.idx.msk [tilespmem:v17+s3+$0x0], $0xffff  }
.LBB2_1:
0x24: {  	p0 =	slt.u32 s6, $0x60;
	v12 =	vld.idx.msk [tilespmem:v12+s3+$0x0], $0xffff;
	v9 =	vsel vm0, $0x3E8, v9;
	vm0 =	vlt.s32 v8, $0x0  }
0x25: {  	s7 =	sadd.s32 $0x2, s5;
	v13 =	vld.idx.msk [tilespmem:v13+s3+$0x0], $0xffff;
	v8 =	vsel vm0, $0x3E8, v8  }
0x26: {  	v16 =	vadd.s32 s7, v0;
	v14 =	vld.idx.msk [tilespmem:v14+s3+$0x0], $0xffff  }
0x27: {  	v17 =	vadd.s32 s7, v1;
	s7 =	sadd.s32 $0x3, s5;
	s5 =	smov.u32 s6;
	v15 =	vld.idx.msk [tilespmem:v15+s3+$0x0], $0xffff  }
0x28: {  	v18 =	vadd.s32 s7, v0;
	v11 =	vld.idx.msk [tilespmem:v11+s3+$0x0], $0xffff  }
0x29: {  	v19 =	vadd.s32 s7, v1;
	v20 =	vld.idx.msk [tilespmem:v9+s3+$0x0], $0xffff  }
0x2a: {  	v21 =	vadd.s32 s6, v0;
	v2 =	vadd.f32 v10, v2;
	v7 =	vadd.f32 v12, v7;
	v10 =	vld.idx.msk [tilespmem:v8+s3+$0x0], $0xffff  }
0x2b: {  	v22 =	vadd.s32 s6, v1;
	s7 =	sadd.s32 $0x1, s6;
	v16 =	vld.idx.msk [tilespmem:v16+s4+$0x0], $0xffff  }
0x2c: {  	v23 =	vadd.s32 s7, v0;
	v2 =	vadd.f32 v13, v2;
	v7 =	vadd.f32 v14, v7;
	v17 =	vld.idx.msk [tilespmem:v17+s4+$0x0], $0xffff  }
0x2d: {  	vm0 =	vlt.s32 v5, $0x0;
	vm1 =	vlt.s32 v6, $0x0;
	v24 =	vadd.s32 s7, v1;
	v9 =	vld.idx.msk [tilespmem:v18+s4+$0x0], $0xffff  }
0x2e: {  	v2 =	vadd.f32 v15, v2;
	v18 =	vsel vm0, $0x3E8, v5;
	v7 =	vadd.f32 v11, v7;
	v8 =	vld.idx.msk [tilespmem:v19+s4+$0x0], $0xffff  }
.Ltmp0:
0x2f: {  	v12 =	vsel vm1, $0x3E8, v6;
	vm1 =	vlt.s32 v3, $0x0;
	vm0 =	vlt.s32 v4, $0x0;
	v5 =	vld.idx.msk [tilespmem:v21+s4+$0x0], $0xffff;
	(pc) =	sbr.rel @p0 .LBB2_1-.Ltmp0, $4  }
0x30: {  	v13 =	vsel vm0, $0x3E8, v4;
	v2 =	vadd.f32 v20, v2;
	v7 =	vadd.f32 v10, v7;
	v6 =	vld.idx.msk [tilespmem:v22+s4+$0x0], $0xffff  }
0x31: {  	v14 =	vsel vm1, $0x3E8, v3;
	vm0 =	vlt.s32 v16, $0x0;
	v4 =	vld.idx.msk [tilespmem:v23+s4+$0x0], $0xffff  }
0x32: {  	v15 =	vsel vm0, $0x3E8, v16;
	vm0 =	vlt.s32 v17, $0x0;
	v3 =	vld.idx.msk [tilespmem:v24+s4+$0x0], $0xffff  }
0x33: {  	s6 =	sadd.s32 $0x4, s6;
	v11 =	vsel vm0, $0x3E8, v17;
	vm0 =	vlt.s32 v9, $0x0;
	v10 =	vld.idx.msk [tilespmem:v18+s3+$0x0], $0xffff  }
0x34: {  	_ =	sdelay $0x1  }
0x35: {  	s6 =	sadd.s32 $0x2, s5  }
0x36: {  	v16 =	vadd.s32 s6, v0  }
0x37: {  	v12 =	vld.idx.msk [tilespmem:v12+s3+$0x0], $0xffff;
	s25 =	sadd.s32 $0x3, s5;
	v17 =	vadd.s32 s6, v1  }
0x38: {  	v13 =	vld.idx.msk [tilespmem:v13+s3+$0x0], $0xffff;
	v0 =	vadd.s32 s25, v0  }
0x39: {  	v14 =	vld.idx.msk [tilespmem:v14+s3+$0x0], $0xffff;
	v1 =	vadd.s32 s25, v1  }
0x3a: {  	v15 =	vld.idx.msk [tilespmem:v15+s3+$0x0], $0xffff  }
0x3b: {  	v9 =	vsel vm0, $0x3E8, v9;
	vm8 =	vlt.s32 v8, $0x0;
	v16 =	vld.idx.msk [tilespmem:v16+s4+$0x0], $0xffff  }
0x3c: {  	vm9 =	vlt.s32 v5, $0x0;
	v8 =	vsel vm8, $0x3E8, v8;
	v17 =	vld.idx.msk [tilespmem:v17+s4+$0x0], $0xffff  }
0x3d: {  	vm1 =	vlt.s32 v6, $0x0;
	v5 =	vsel vm9, $0x3E8, v5;
	v0 =	vld.idx.msk [tilespmem:v0+s4+$0x0], $0xffff  }
0x3e: {  	v6 =	vsel vm1, $0x3E8, v6;
	vm10 =	vlt.s32 v4, $0x0;
	v1 =	vld.idx.msk [tilespmem:v1+s4+$0x0], $0xffff  }
0x3f: {  	v11 =	vld.idx.msk [tilespmem:v11+s3+$0x0], $0xffff;
	vm11 =	vlt.s32 v3, $0x0;
	v4 =	vsel vm10, $0x3E8, v4;
	v2 =	vadd.f32 v10, v2  }
0x40: {  	v3 =	vsel vm11, $0x3E8, v3;
	v9 =	vld.idx.msk [tilespmem:v9+s3+$0x0], $0xffff;
	v7 =	vadd.f32 v12, v7;
	vm12 =	vlt.s32 v16, $0x0  }
0x41: {  	v8 =	vld.idx.msk [tilespmem:v8+s3+$0x0], $0xffff;
	v2 =	vadd.f32 v13, v2;
	vm13 =	vlt.s32 v17, $0x0;
	v10 =	vsel vm12, $0x3E8, v16  }
0x42: {  	v5 =	vld.idx.msk [tilespmem:v5+s3+$0x0], $0xffff;
	v7 =	vadd.f32 v14, v7;
	vm14 =	vlt.s32 v0, $0x0;
	v12 =	vsel vm13, $0x3E8, v17  }
0x43: {  	v6 =	vld.idx.msk [tilespmem:v6+s3+$0x0], $0xffff;
	v2 =	vadd.f32 v15, v2;
	vm15 =	vlt.s32 v1, $0x0;
	v0 =	vsel vm14, $0x3E8, v0  }
0x44: {  	v4 =	vld.idx.msk [tilespmem:v4+s3+$0x0], $0xffff;
	v7 =	vadd.f32 v11, v7;
	v1 =	vsel vm15, $0x3E8, v1  }
0x45: {  	v3 =	vld.idx.msk [tilespmem:v3+s3+$0x0], $0xffff;
	v2 =	vadd.f32 v9, v2  }
0x46: {  	v7 =	vadd.f32 v8, v7;
	v8 =	vld.idx.msk [tilespmem:v10+s3+$0x0], $0xffff  }
0x47: {  	v2 =	vadd.f32 v5, v2;
	v9 =	vld.idx.msk [tilespmem:v12+s3+$0x0], $0xffff  }
0x48: {  	v5 =	vadd.f32 v6, v7;
	v0 =	vld.idx.msk [tilespmem:v0+s3+$0x0], $0xffff  }
0x49: {  	v2 =	vadd.f32 v4, v2;
	v1 =	vld.idx.msk [tilespmem:v1+s3+$0x0], $0xffff  }
0x4a: {  	v3 =	vadd.f32 v3, v5  }
0x4b: {  	v2 =	vadd.f32 v8, v2  }
0x4c: {  	v3 =	vadd.f32 v9, v3  }
0x4d: {  	v0 =	vadd.f32 v0, v2;
	v2 =	vlaneseq.u32  }
0x4e: {  	v1 =	vadd.f32 v1, v3;
	v3 =	vmul.u32 $0x64, v2;
	_ =	sdelay $0x1  }
0x4f: {  	s4 =	simm.s32 $0x0;
	s3 =	sshll.u32 s0, $0x5;
	[tilespmem:$0x6800] =	vst v0;
	v2 =	vadd.s32 $0xC80, v3  }
0x50: {  	s28 =	simm.s32 $0x6800;
	s29 =	simm.s32 $0x2;
	s26 =	sadd.s32 s2, s3;
	[tilespmem:$0x6810] =	vst v1;
	v0 =	vadd.s32 $0x12C0, v3;
	v4 =	vadd.s32 s4, v2  }
0x51: {  	[hbm4b:s26+s4] =	stream.linear.scatter [tilespmem:s28], [sflag:$0x6], $0x20, $0x38;
	v1 =	vadd.s32 $0x1900, v3;
	v3 =	vadd.s32 s4, v0;
	[tilespmem:$0x6900] =	vst v63  }
0x52: {  	s30 =	simm.s32 $0x3;
	_ =	swait.ge [sflag:s29], $0x12C0;
	v5 =	vadd.s32 s4, v1  }
0x53: {  	s7 =	simm.s32 $0x2;
	v6 =	vadd.s32 s30, v2;
	[sflag:s29] =	ssyncset.done $0x0  }
0x54: {  	s5 =	simm.s32 $0x400;
	s8 =	simm.s32 $0x1;
	v7 =	vadd.s32 s7, v2;
	[sflag:s29] =	ssyncadd.s32 $0xFFFFED40  }
0x55: {  	v8 =	vadd.s32 s8, v2;
	v4 =	vld.idx.msk [tilespmem:v4+s5+$0x0], $0xffff  }
0x56: {  	v9 =	vadd.s32 s8, v0;
	v3 =	vld.idx.msk [tilespmem:v3+s5+$0x0], $0xffff  }
0x57: {  	v10 =	vadd.s32 s8, v1;
	v5 =	vld.idx.msk [tilespmem:v5+s5+$0x0], $0xffff  }
0x58: {  	v11 =	vadd.s32 s7, v0;
	v6 =	vld.idx.msk [tilespmem:v6+s5+$0x0], $0xffff  }
0x59: {  	v12 =	vadd.s32 s7, v1;
	v7 =	vld.idx.msk [tilespmem:v7+s5+$0x0], $0xffff  }
0x5a: {  	v13 =	vadd.s32 s30, v0;
	v8 =	vld.idx.msk [tilespmem:v8+s5+$0x0], $0xffff  }
0x5b: {  	v14 =	vadd.s32 s30, v1;
	v9 =	vld.idx.msk [tilespmem:v9+s5+$0x0], $0xffff;
	vm4 =	vlt.s32 v4, $0x0  }
0x5c: {  	v10 =	vld.idx.msk [tilespmem:v10+s5+$0x0], $0xffff;
	vm5 =	vlt.s32 v3, $0x0;
	v4 =	vsel vm4, $0x3E8, v4  }
0x5d: {  	v11 =	vld.idx.msk [tilespmem:v11+s5+$0x0], $0xffff;
	vm6 =	vlt.s32 v5, $0x0;
	v3 =	vsel vm5, $0x3E8, v3  }
0x5e: {  	v12 =	vld.idx.msk [tilespmem:v12+s5+$0x0], $0xffff;
	vm7 =	vlt.s32 v6, $0x0;
	v5 =	vsel vm6, $0x3E8, v5  }
0x5f: {  	v13 =	vld.idx.msk [tilespmem:v13+s5+$0x0], $0xffff;
	vm8 =	vlt.s32 v7, $0x0;
	v6 =	vsel vm7, $0x3E8, v6  }
0x60: {  	v14 =	vld.idx.msk [tilespmem:v14+s5+$0x0], $0xffff;
	vm9 =	vlt.s32 v8, $0x0;
	v7 =	vsel vm8, $0x3E8, v7  }
0x61: {  	vm10 =	vlt.s32 v9, $0x0;
	v8 =	vsel vm9, $0x3E8, v8;
	v16 =	vld.idx.msk [tilespmem:v4+s4+$0x0], $0xffff  }
0x62: {  	vm11 =	vlt.s32 v10, $0x0;
	v9 =	vsel vm10, $0x3E8, v9;
	v19 =	vld.idx.msk [tilespmem:v3+s4+$0x0], $0xffff  }
0x63: {  	vm12 =	vlt.s32 v11, $0x0;
	v20 =	vld.idx.msk [tilespmem:v5+s4+$0x0], $0xffff;
	v5 =	vsel vm11, $0x3E8, v10  }
0x64: {  	vm13 =	vlt.s32 v12, $0x0;
	v11 =	vsel vm12, $0x3E8, v11;
	v3 =	vld.idx.msk [tilespmem:v6+s4+$0x0], $0xffff  }
0x65: {  	vm14 =	vlt.s32 v13, $0x0;
	v4 =	vld.idx.msk [tilespmem:v7+s4+$0x0], $0xffff;
	v6 =	vsel vm13, $0x3E8, v12  }
0x66: {  	vm15 =	vlt.s32 v14, $0x0;
	v21 =	vld.idx.msk [tilespmem:v8+s4+$0x0], $0xffff;
	v8 =	vsel vm14, $0x3E8, v13  }
0x67: {  	s31 =	simm.s32 $0x4;
	v9 =	vld.idx.msk [tilespmem:v9+s4+$0x0], $0xffff;
	v13 =	vsel vm15, $0x3E8, v14  }
0x68: {  	v14 =	vadd.s32 s31, v2;
	v10 =	vld.idx.msk [tilespmem:v5+s4+$0x0], $0xffff  }
0x69: {  	v17 =	vadd.s32 s31, v0;
	v5 =	vld.idx.msk [tilespmem:v11+s4+$0x0], $0xffff  }
0x6a: {  	v15 =	vadd.s32 s31, v1;
	s7 =	simm.s32 $0x7;
	v11 =	vimm.f32 $0.0e+00;
	v7 =	vld.idx.msk [tilespmem:v6+s4+$0x0], $0xffff  }
0x6b: {  	s8 =	simm.s32 $0x6;
	v6 =	vld.idx.msk [tilespmem:v8+s4+$0x0], $0xffff;
	v22 =	vadd.f32 v16, v11;
	v16 =	vadd.s32 s7, v2  }
0x6c: {  	s9 =	simm.s32 $0x5;
	v18 =	vadd.s32 s8, v2;
	v8 =	vld.idx.msk [tilespmem:v13+s4+$0x0], $0xffff;
	v12 =	vadd.f32 v19, v11;
	v11 =	vadd.f32 v20, v11  }
0x6d: {  	s6 =	simm.s32 $0x8;
	v14 =	vld.idx.msk [tilespmem:v14+s5+$0x0], $0xffff;
	v19 =	vadd.s32 s9, v2;
	v13 =	vadd.f32 v21, v22  }
.LBB2_3:
0x6e: {  	p0 =	slt.u32 s6, $0x60;
	v17 =	vld.idx.msk [tilespmem:v17+s5+$0x0], $0xffff;
	v20 =	vadd.s32 s9, v0;
	v9 =	vadd.f32 v9, v12;
	v10 =	vadd.f32 v10, v11  }
0x6f: {  	v12 =	vadd.s32 s9, v1;
	v11 =	vld.idx.msk [tilespmem:v15+s5+$0x0], $0xffff;
	v4 =	vadd.f32 v4, v13  }
0x70: {  	v13 =	vadd.s32 s8, v0;
	v15 =	vld.idx.msk [tilespmem:v16+s5+$0x0], $0xffff;
	v5 =	vadd.f32 v5, v9;
	v7 =	vadd.f32 v7, v10  }
0x71: {  	v10 =	vadd.s32 s8, v1;
	v9 =	vld.idx.msk [tilespmem:v18+s5+$0x0], $0xffff;
	v18 =	vadd.f32 v3, v4  }
0x72: {  	v4 =	vadd.s32 s7, v0;
	v3 =	vld.idx.msk [tilespmem:v19+s5+$0x0], $0xffff;
	v19 =	vadd.f32 v6, v5;
	v8 =	vadd.f32 v8, v7  }
0x73: {  	vm0 =	vlt.s32 v14, $0x0;
	v6 =	vadd.s32 s7, v1;
	v5 =	vld.idx.msk [tilespmem:v20+s5+$0x0], $0xffff  }
0x74: {  	v7 =	vsel vm0, $0x3E8, v14;
	vm0 =	vlt.s32 v17, $0x0;
	v12 =	vld.idx.msk [tilespmem:v12+s5+$0x0], $0xffff  }
0x75: {  	v14 =	vsel vm0, $0x3E8, v17;
	vm0 =	vlt.s32 v11, $0x0;
	v13 =	vld.idx.msk [tilespmem:v13+s5+$0x0], $0xffff  }
0x76: {  	v11 =	vsel vm0, $0x3E8, v11;
	vm0 =	vlt.s32 v15, $0x0;
	v10 =	vld.idx.msk [tilespmem:v10+s5+$0x0], $0xffff  }
0x77: {  	vm1 =	vlt.s32 v9, $0x0;
	v15 =	vsel vm0, $0x3E8, v15;
	v16 =	vld.idx.msk [tilespmem:v4+s5+$0x0], $0xffff  }
0x78: {  	vm0 =	vlt.s32 v3, $0x0;
	v4 =	vsel vm1, $0x3E8, v9;
	v6 =	vld.idx.msk [tilespmem:v6+s5+$0x0], $0xffff  }
0x79: {  	v20 =	vld.idx.msk [tilespmem:v7+s4+$0x0], $0xffff;
	v7 =	vsel vm0, $0x3E8, v3;
	vm0 =	vlt.s32 v5, $0x0  }
0x7a: {  	v14 =	vld.idx.msk [tilespmem:v14+s4+$0x0], $0xffff;
	v5 =	vsel vm0, $0x3E8, v5;
	vm0 =	vlt.s32 v12, $0x0  }
0x7b: {  	v11 =	vld.idx.msk [tilespmem:v11+s4+$0x0], $0xffff;
	v12 =	vsel vm0, $0x3E8, v12;
	vm0 =	vlt.s32 v13, $0x0  }
0x7c: {  	v13 =	vsel vm0, $0x3E8, v13;
	vm0 =	vlt.s32 v10, $0x0;
	v3 =	vld.idx.msk [tilespmem:v15+s4+$0x0], $0xffff  }
0x7d: {  	v4 =	vld.idx.msk [tilespmem:v4+s4+$0x0], $0xffff;
	v21 =	vsel vm0, $0x3E8, v10;
	vm0 =	vlt.s32 v16, $0x0  }
0x7e: {  	v22 =	vld.idx.msk [tilespmem:v7+s4+$0x0], $0xffff;
	v23 =	vsel vm0, $0x3E8, v16;
	vm0 =	vlt.s32 v6, $0x0  }
0x7f: {  	v9 =	vld.idx.msk [tilespmem:v5+s4+$0x0], $0xffff;
	v24 =	vsel vm0, $0x3E8, v6  }
0x80: {  	v25 =	vadd.s32 s6, v2;
	v10 =	vld.idx.msk [tilespmem:v12+s4+$0x0], $0xffff  }
.Ltmp1:
0x81: {  	v17 =	vadd.s32 s6, v0;
	v5 =	vld.idx.msk [tilespmem:v13+s4+$0x0], $0xffff;
	(pc) =	sbr.rel @p0 .LBB2_3-.Ltmp1, $4  }
0x82: {  	s7 =	sadd.s32 $0x3, s6;
	v15 =	vadd.s32 s6, v1;
	v7 =	vld.idx.msk [tilespmem:v21+s4+$0x0], $0xffff  }
0x83: {  	s8 =	sadd.s32 $0x2, s6;
	v16 =	vadd.s32 s7, v2;
	v13 =	vadd.f32 v20, v18;
	v6 =	vld.idx.msk [tilespmem:v23+s4+$0x0], $0xffff  }
0x84: {  	s9 =	sadd.s32 $0x1, s6;
	v12 =	vadd.f32 v14, v19;
	v11 =	vadd.f32 v11, v8;
	v18 =	vadd.s32 s8, v2;
	v8 =	vld.idx.msk [tilespmem:v24+s4+$0x0], $0xffff  }
0x85: {  	s6 =	sadd.s32 $0x4, s6;
	v19 =	vadd.s32 s9, v2;
	v13 =	vadd.f32 v22, v13;
	v14 =	vld.idx.msk [tilespmem:v25+s5+$0x0], $0xffff  }
0x86: {  	_ =	sdelay $0x3  }
0x87: {  	v2 =	vld.idx.msk [tilespmem:v17+s5+$0x0], $0xffff;
	v17 =	vadd.s32 s9, v0  }
0x88: {  	v15 =	vld.idx.msk [tilespmem:v15+s5+$0x0], $0xffff;
	v20 =	vadd.s32 s9, v1  }
0x89: {  	v21 =	vadd.s32 s8, v0;
	v16 =	vld.idx.msk [tilespmem:v16+s5+$0x0], $0xffff  }
0x8a: {  	v18 =	vld.idx.msk [tilespmem:v18+s5+$0x0], $0xffff;
	v22 =	vadd.s32 s8, v1  }
0x8b: {  	v19 =	vld.idx.msk [tilespmem:v19+s5+$0x0], $0xffff;
	v0 =	vadd.s32 s7, v0  }
0x8c: {  	v1 =	vadd.s32 s7, v1;
	vm0 =	vlt.s32 v14, $0x0;
	v17 =	vld.idx.msk [tilespmem:v17+s5+$0x0], $0xffff  }
0x8d: {  	v14 =	vsel vm0, $0x3E8, v14;
	vm0 =	vlt.s32 v2, $0x0;
	v20 =	vld.idx.msk [tilespmem:v20+s5+$0x0], $0xffff  }
0x8e: {  	v21 =	vld.idx.msk [tilespmem:v21+s5+$0x0], $0xffff;
	v2 =	vsel vm0, $0x3E8, v2;
	vm0 =	vlt.s32 v15, $0x0  }
0x8f: {  	v22 =	vld.idx.msk [tilespmem:v22+s5+$0x0], $0xffff;
	vm1 =	vlt.s32 v18, $0x0;
	v15 =	vsel vm0, $0x3E8, v15  }
0x90: {  	v0 =	vld.idx.msk [tilespmem:v0+s5+$0x0], $0xffff;
	v18 =	vsel vm1, $0x3E8, v18;
	vm0 =	vlt.s32 v16, $0x0  }
0x91: {  	v1 =	vld.idx.msk [tilespmem:v1+s5+$0x0], $0xffff;
	v16 =	vsel vm0, $0x3E8, v16;
	vm0 =	vlt.s32 v19, $0x0  }
0x92: {  	v19 =	vsel vm0, $0x3E8, v19;
	v14 =	vld.idx.msk [tilespmem:v14+s4+$0x0], $0xffff;
	vm0 =	vlt.s32 v17, $0x0  }
0x93: {  	v9 =	vadd.f32 v9, v12;
	v2 =	vld.idx.msk [tilespmem:v2+s4+$0x0], $0xffff;
	v17 =	vsel vm0, $0x3E8, v17;
	vm0 =	vlt.s32 v20, $0x0  }
0x94: {  	v10 =	vadd.f32 v10, v11;
	v12 =	vld.idx.msk [tilespmem:v15+s4+$0x0], $0xffff;
	v15 =	vsel vm0, $0x3E8, v20;
	vm0 =	vlt.s32 v21, $0x0  }
0x95: {  	v4 =	vadd.f32 v4, v13;
	v13 =	vld.idx.msk [tilespmem:v18+s4+$0x0], $0xffff;
	v11 =	vsel vm0, $0x3E8, v21;
	vm0 =	vlt.s32 v22, $0x0  }
0x96: {  	v16 =	vld.idx.msk [tilespmem:v16+s4+$0x0], $0xffff;
	v18 =	vsel vm0, $0x3E8, v22;
	vm0 =	vlt.s32 v0, $0x0  }
0x97: {  	v5 =	vadd.f32 v5, v9;
	v9 =	vld.idx.msk [tilespmem:v19+s4+$0x0], $0xffff;
	v0 =	vsel vm0, $0x3E8, v0;
	vm0 =	vlt.s32 v1, $0x0  }
0x98: {  	v7 =	vadd.f32 v7, v10;
	v3 =	vadd.f32 v3, v4;
	v4 =	vld.idx.msk [tilespmem:v17+s4+$0x0], $0xffff;
	v1 =	vsel vm0, $0x3E8, v1  }
0x99: {  	v5 =	vadd.f32 v6, v5;
	v6 =	vld.idx.msk [tilespmem:v15+s4+$0x0], $0xffff  }
0x9a: {  	v7 =	vadd.f32 v8, v7;
	v8 =	vld.idx.msk [tilespmem:v11+s4+$0x0], $0xffff  }
0x9b: {  	v3 =	vadd.f32 v14, v3;
	v2 =	vadd.f32 v2, v5;
	v10 =	vld.idx.msk [tilespmem:v18+s4+$0x0], $0xffff  }
0x9c: {  	v5 =	vadd.f32 v12, v7;
	v0 =	vld.idx.msk [tilespmem:v0+s4+$0x0], $0xffff  }
0x9d: {  	v3 =	vadd.f32 v9, v3;
	v1 =	vld.idx.msk [tilespmem:v1+s4+$0x0], $0xffff;
	v2 =	vadd.f32 v4, v2  }
0x9e: {  	v4 =	vadd.f32 v6, v5  }
0x9f: {  	v3 =	vadd.f32 v13, v3;
	v2 =	vadd.f32 v8, v2  }
0xa0: {  	v4 =	vadd.f32 v10, v4  }
0xa1: {  	v3 =	vadd.f32 v16, v3;
	v0 =	vadd.f32 v0, v2;
	v2 =	vlaneseq.u32  }
0xa2: {  	v1 =	vadd.f32 v1, v4;
	v4 =	vmul.u32 $0x64, v2  }
0xa3: {  	[tilespmem:$0x6820] =	vst v3  }
0xa4: {  	s2 =	sadd.s32 s3, s2;
	s3 =	simm.s32 $0x0;
	[tilespmem:$0x6830] =	vst v0;
	v0 =	vadd.s32 $0x1F40, v4  }
0xa5: {  	s28 =	simm.s32 $0x6820;
	s29 =	simm.s32 $0x3;
	s26 =	sadd.s32 $0x4, s2;
	[tilespmem:$0x6840] =	vst v1;
	v1 =	vadd.s32 $0x2580, v4;
	v5 =	vadd.s32 s3, v0  }
0xa6: {  	v2 =	vadd.s32 $0x2BC0, v4;
	[hbm4b:s26+s3] =	stream.linear.scatter [tilespmem:s28], [sflag:$0x6], $0x30, $0x38;
	v6 =	vadd.s32 s3, v1;
	[tilespmem:$0x6900] =	vst v63  }
0xa7: {  	v3 =	vadd.s32 $0x3200, v4;
	v7 =	vadd.s32 s3, v2;
	_ =	swait.ge [sflag:s29], $0x1F40  }
0xa8: {  	v4 =	vadd.s32 $0x3840, v4;
	v8 =	vadd.s32 s3, v3;
	[sflag:s29] =	ssyncset.done $0x0  }
0xa9: {  	s30 =	simm.s32 $0x3;
	s4 =	simm.s32 $0x400;
	v9 =	vadd.s32 s3, v4;
	[sflag:s29] =	ssyncadd.s32 $0xFFFFE0C0  }
0xaa: {  	s6 =	simm.s32 $0x2;
	v10 =	vadd.s32 s30, v1;
	v23 =	vld.idx.msk [tilespmem:v5+s4+$0x0], $0xffff  }
0xab: {  	v12 =	vadd.s32 s6, v0;
	v6 =	vld.idx.msk [tilespmem:v6+s4+$0x0], $0xffff  }
0xac: {  	v13 =	vadd.s32 s6, v2;
	v16 =	vld.idx.msk [tilespmem:v7+s4+$0x0], $0xffff  }
0xad: {  	v5 =	vadd.s32 s30, v0;
	v17 =	vld.idx.msk [tilespmem:v8+s4+$0x0], $0xffff  }
0xae: {  	v7 =	vadd.s32 s30, v2;
	v18 =	vld.idx.msk [tilespmem:v9+s4+$0x0], $0xffff  }
0xaf: {  	v8 =	vadd.s32 s30, v3;
	v19 =	vld.idx.msk [tilespmem:v10+s4+$0x0], $0xffff  }
0xb0: {  	s31 =	simm.s32 $0x1;
	v9 =	vadd.s32 s30, v4;
	v21 =	vld.idx.msk [tilespmem:v12+s4+$0x0], $0xffff  }
0xb1: {  	v30 =	vadd.s32 s31, v1;
	v15 =	vld.idx.msk [tilespmem:v13+s4+$0x0], $0xffff  }
0xb2: {  	v20 =	vld.idx.msk [tilespmem:v5+s4+$0x0], $0xffff;
	v5 =	vadd.s32 s6, v1  }
0xb3: {  	v14 =	vld.idx.msk [tilespmem:v7+s4+$0x0], $0xffff;
	v7 =	vadd.s32 s6, v3  }
0xb4: {  	v10 =	vld.idx.msk [tilespmem:v8+s4+$0x0], $0xffff;
	v8 =	vadd.s32 s6, v4  }
0xb5: {  	v11 =	vld.idx.msk [tilespmem:v9+s4+$0x0], $0xffff;
	v9 =	vadd.s32 s31, v0;
	vm0 =	vlt.s32 v23, $0x0  }
0xb6: {  	v29 =	vadd.s32 s31, v2;
	v27 =	vsel vm0, $0x3E8, v23;
	v23 =	vld.idx.msk [tilespmem:v30+s4+$0x0], $0xffff  }
0xb7: {  	v25 =	vadd.s32 s31, v3;
	vm0 =	vlt.s32 v6, $0x0;
	v22 =	vld.idx.msk [tilespmem:v5+s4+$0x0], $0xffff  }
0xb8: {  	v26 =	vadd.s32 s31, v4;
	v28 =	vsel vm0, $0x3E8, v6;
	v12 =	vld.idx.msk [tilespmem:v7+s4+$0x0], $0xffff  }
0xb9: {  	vm0 =	vlt.s32 v16, $0x0;
	v6 =	vimm.f32 $0.0e+00;
	v5 =	vimm.f32 $0.0e+00;
	v13 =	vld.idx.msk [tilespmem:v8+s4+$0x0], $0xffff  }
0xba: {  	s5 =	simm.s32 $0x4;
	v24 =	vld.idx.msk [tilespmem:v9+s4+$0x0], $0xffff;
	v8 =	vimm.f32 $0.0e+00;
	v9 =	vimm.f32 $0.0e+00;
	v7 =	vimm.f32 $0.0e+00  }
.LBB2_5:
0xbb: {  	p0 =	slt.u32 s5, $0x60;
	v16 =	vsel vm0, $0x3E8, v16;
	vm0 =	vlt.s32 v17, $0x0;
	v29 =	vld.idx.msk [tilespmem:v29+s4+$0x0], $0xffff  }
0xbc: {  	v17 =	vsel vm0, $0x3E8, v17;
	vm0 =	vlt.s32 v18, $0x0;
	v25 =	vld.idx.msk [tilespmem:v25+s4+$0x0], $0xffff  }
0xbd: {  	v18 =	vsel vm0, $0x3E8, v18;
	v26 =	vld.idx.msk [tilespmem:v26+s4+$0x0], $0xffff;
	vm0 =	vlt.s32 v20, $0x0  }
0xbe: {  	v27 =	vld.idx.msk [tilespmem:v27+s3+$0x0], $0xffff;
	v20 =	vsel vm0, $0x3E8, v20;
	vm0 =	vlt.s32 v19, $0x0  }
0xbf: {  	vm1 =	vlt.s32 v24, $0x0;
	v28 =	vld.idx.msk [tilespmem:v28+s3+$0x0], $0xffff;
	v19 =	vsel vm0, $0x3E8, v19  }
0xc0: {  	v24 =	vsel vm1, $0x3E8, v24;
	vm0 =	vlt.s32 v14, $0x0;
	v16 =	vld.idx.msk [tilespmem:v16+s3+$0x0], $0xffff  }
0xc1: {  	vm1 =	vlt.s32 v21, $0x0;
	v14 =	vsel vm0, $0x3E8, v14;
	v17 =	vld.idx.msk [tilespmem:v17+s3+$0x0], $0xffff  }
0xc2: {  	v21 =	vsel vm1, $0x3E8, v21;
	vm0 =	vlt.s32 v22, $0x0;
	v18 =	vld.idx.msk [tilespmem:v18+s3+$0x0], $0xffff  }
0xc3: {  	v22 =	vsel vm0, $0x3E8, v22;
	vm0 =	vlt.s32 v15, $0x0;
	v20 =	vld.idx.msk [tilespmem:v20+s3+$0x0], $0xffff  }
0xc4: {  	vm1 =	vlt.s32 v23, $0x0;
	v15 =	vsel vm0, $0x3E8, v15;
	v19 =	vld.idx.msk [tilespmem:v19+s3+$0x0], $0xffff  }
0xc5: {  	v23 =	vsel vm1, $0x3E8, v23;
	vm0 =	vlt.s32 v29, $0x0;
	v24 =	vld.idx.msk [tilespmem:v24+s3+$0x0], $0xffff  }
0xc6: {  	v29 =	vsel vm0, $0x3E8, v29;
	vm0 =	vlt.s32 v25, $0x0;
	v14 =	vld.idx.msk [tilespmem:v14+s3+$0x0], $0xffff  }
0xc7: {  	v25 =	vsel vm0, $0x3E8, v25;
	vm0 =	vlt.s32 v26, $0x0;
	v21 =	vld.idx.msk [tilespmem:v21+s3+$0x0], $0xffff  }
0xc8: {  	v26 =	vsel vm0, $0x3E8, v26;
	vm0 =	vlt.s32 v12, $0x0;
	v22 =	vld.idx.msk [tilespmem:v22+s3+$0x0], $0xffff  }
0xc9: {  	v5 =	vadd.f32 v27, v5;
	v12 =	vsel vm0, $0x3E8, v12;
	vm0 =	vlt.s32 v13, $0x0;
	v15 =	vld.idx.msk [tilespmem:v15+s3+$0x0], $0xffff  }
0xca: {  	v13 =	vsel vm0, $0x3E8, v13;
	vm0 =	vlt.s32 v10, $0x0;
	v23 =	vld.idx.msk [tilespmem:v23+s3+$0x0], $0xffff  }
0xcb: {  	v10 =	vsel vm0, $0x3E8, v10;
	vm0 =	vlt.s32 v11, $0x0;
	v5 =	vadd.f32 v24, v5;
	v24 =	vld.idx.msk [tilespmem:v29+s3+$0x0], $0xffff  }
0xcc: {  	v11 =	vsel vm0, $0x3E8, v11;
	v25 =	vld.idx.msk [tilespmem:v25+s3+$0x0], $0xffff  }
0xcd: {  	v27 =	vadd.s32 s5, v0;
	v5 =	vadd.f32 v21, v5;
	v26 =	vld.idx.msk [tilespmem:v26+s3+$0x0], $0xffff  }
0xce: {  	v21 =	vadd.s32 s5, v1;
	v12 =	vld.idx.msk [tilespmem:v12+s3+$0x0], $0xffff  }
0xcf: {  	v29 =	vadd.s32 s5, v2;
	v5 =	vadd.f32 v20, v5;
	v13 =	vld.idx.msk [tilespmem:v13+s3+$0x0], $0xffff  }
0xd0: {  	v8 =	vadd.f32 v28, v8;
	v9 =	vadd.f32 v16, v9;
	v20 =	vadd.s32 s5, v3;
	v10 =	vld.idx.msk [tilespmem:v10+s3+$0x0], $0xffff  }
0xd1: {  	s6 =	sadd.s32 $0x3, s5;
	v28 =	vadd.s32 s5, v4;
	v7 =	vadd.f32 v17, v7;
	v6 =	vadd.f32 v18, v6;
	v11 =	vld.idx.msk [tilespmem:v11+s3+$0x0], $0xffff  }
0xd2: {  	v30 =	vadd.s32 s6, v0;
	v8 =	vadd.f32 v23, v8;
	v9 =	vadd.f32 v24, v9;
	v27 =	vld.idx.msk [tilespmem:v27+s4+$0x0], $0xffff  }
0xd3: {  	v7 =	vadd.f32 v25, v7;
	v6 =	vadd.f32 v26, v6;
	v23 =	vld.idx.msk [tilespmem:v21+s4+$0x0], $0xffff;
	v21 =	vadd.s32 s6, v1  }
0xd4: {  	v24 =	vadd.s32 s6, v2;
	v8 =	vadd.f32 v22, v8;
	v9 =	vadd.f32 v15, v9;
	v16 =	vld.idx.msk [tilespmem:v29+s4+$0x0], $0xffff  }
0xd5: {  	v15 =	vadd.s32 s6, v3;
	v7 =	vadd.f32 v12, v7;
	v6 =	vadd.f32 v13, v6;
	v17 =	vld.idx.msk [tilespmem:v20+s4+$0x0], $0xffff  }
0xd6: {  	s7 =	sadd.s32 $0x2, s5;
	v12 =	vadd.s32 s6, v4;
	v8 =	vadd.f32 v19, v8;
	v9 =	vadd.f32 v14, v9;
	v18 =	vld.idx.msk [tilespmem:v28+s4+$0x0], $0xffff  }
0xd7: {  	v13 =	vadd.s32 s7, v0;
	v7 =	vadd.f32 v10, v7;
	v6 =	vadd.f32 v11, v6;
	v20 =	vld.idx.msk [tilespmem:v30+s4+$0x0], $0xffff  }
0xd8: {  	v22 =	vadd.s32 s7, v1;
	v19 =	vld.idx.msk [tilespmem:v21+s4+$0x0], $0xffff  }
0xd9: {  	v25 =	vadd.s32 s7, v2;
	v14 =	vld.idx.msk [tilespmem:v24+s4+$0x0], $0xffff  }
0xda: {  	v24 =	vadd.s32 s7, v3;
	v10 =	vld.idx.msk [tilespmem:v15+s4+$0x0], $0xffff  }
0xdb: {  	s6 =	sadd.s32 $0x1, s5;
	v28 =	vadd.s32 s7, v4;
	v11 =	vld.idx.msk [tilespmem:v12+s4+$0x0], $0xffff  }
0xdc: {  	v30 =	vadd.s32 s6, v0;
	v21 =	vld.idx.msk [tilespmem:v13+s4+$0x0], $0xffff  }
0xdd: {  	v31 =	vadd.s32 s6, v1;
	v22 =	vld.idx.msk [tilespmem:v22+s4+$0x0], $0xffff  }
.Ltmp2:
0xde: {  	v29 =	vadd.s32 s6, v2;
	v15 =	vld.idx.msk [tilespmem:v25+s4+$0x0], $0xffff;
	(pc) =	sbr.rel @p0 .LBB2_5-.Ltmp2, $4  }
0xdf: {  	v25 =	vadd.s32 s6, v3;
	v12 =	vld.idx.msk [tilespmem:v24+s4+$0x0], $0xffff  }
0xe0: {  	v26 =	vadd.s32 s6, v4;
	vm0 =	vlt.s32 v27, $0x0;
	v13 =	vld.idx.msk [tilespmem:v28+s4+$0x0], $0xffff  }
0xe1: {  	v27 =	vsel vm0, $0x3E8, v27;
	vm0 =	vlt.s32 v23, $0x0;
	v24 =	vld.idx.msk [tilespmem:v30+s4+$0x0], $0xffff  }
0xe2: {  	s5 =	sadd.s32 $0x4, s5;
	v28 =	vsel vm0, $0x3E8, v23;
	vm0 =	vlt.s32 v16, $0x0;
	v23 =	vld.idx.msk [tilespmem:v31+s4+$0x0], $0xffff  }
0xe3: {  	_ =	sdelay $0x3  }
0xe4: {  	v0 =	vsel vm0, $0x3E8, v16;
	vm0 =	vlt.s32 v17, $0x0;
	v1 =	vld.idx.msk [tilespmem:v29+s4+$0x0], $0xffff  }
0xe5: {  	v3 =	vld.idx.msk [tilespmem:v25+s4+$0x0], $0xffff;
	v2 =	vsel vm0, $0x3E8, v17;
	vm0 =	vlt.s32 v18, $0x0  }
0xe6: {  	v16 =	vld.idx.msk [tilespmem:v26+s4+$0x0], $0xffff;
	v4 =	vsel vm0, $0x3E8, v18;
	vm0 =	vlt.s32 v20, $0x0  }
0xe7: {  	v17 =	vld.idx.msk [tilespmem:v27+s3+$0x0], $0xffff;
	v18 =	vsel vm0, $0x3E8, v20;
	vm0 =	vlt.s32 v19, $0x0  }
0xe8: {  	v20 =	vld.idx.msk [tilespmem:v28+s3+$0x0], $0xffff;
	vm1 =	vlt.s32 v24, $0x0;
	v19 =	vsel vm0, $0x3E8, v19  }
0xe9: {  	v24 =	vsel vm1, $0x3E8, v24;
	vm0 =	vlt.s32 v14, $0x0;
	v0 =	vld.idx.msk [tilespmem:v0+s3+$0x0], $0xffff  }
0xea: {  	vm1 =	vlt.s32 v21, $0x0;
	v14 =	vsel vm0, $0x3E8, v14;
	v2 =	vld.idx.msk [tilespmem:v2+s3+$0x0], $0xffff  }
0xeb: {  	v21 =	vsel vm1, $0x3E8, v21;
	vm0 =	vlt.s32 v22, $0x0;
	v4 =	vld.idx.msk [tilespmem:v4+s3+$0x0], $0xffff  }
0xec: {  	vm1 =	vlt.s32 v23, $0x0;
	v22 =	vsel vm0, $0x3E8, v22;
	vm0 =	vlt.s32 v15, $0x0;
	v18 =	vld.idx.msk [tilespmem:v18+s3+$0x0], $0xffff  }
0xed: {  	v23 =	vsel vm1, $0x3E8, v23;
	v15 =	vsel vm0, $0x3E8, v15;
	vm0 =	vlt.s32 v1, $0x0;
	v19 =	vld.idx.msk [tilespmem:v19+s3+$0x0], $0xffff  }
0xee: {  	v1 =	vsel vm0, $0x3E8, v1;
	vm0 =	vlt.s32 v3, $0x0;
	v24 =	vld.idx.msk [tilespmem:v24+s3+$0x0], $0xffff  }
0xef: {  	v3 =	vsel vm0, $0x3E8, v3;
	vm0 =	vlt.s32 v16, $0x0;
	v14 =	vld.idx.msk [tilespmem:v14+s3+$0x0], $0xffff  }
0xf0: {  	v21 =	vld.idx.msk [tilespmem:v21+s3+$0x0], $0xffff;
	v16 =	vsel vm0, $0x3E8, v16  }
0xf1: {  	vm0 =	vlt.s32 v12, $0x0;
	v22 =	vld.idx.msk [tilespmem:v22+s3+$0x0], $0xffff  }
0xf2: {  	v5 =	vadd.f32 v17, v5;
	v12 =	vsel vm0, $0x3E8, v12;
	vm0 =	vlt.s32 v13, $0x0;
	v17 =	vld.idx.msk [tilespmem:v23+s3+$0x0], $0xffff  }
0xf3: {  	v13 =	vsel vm0, $0x3E8, v13;
	vm0 =	vlt.s32 v10, $0x0;
	v1 =	vld.idx.msk [tilespmem:v1+s3+$0x0], $0xffff  }
0xf4: {  	v10 =	vsel vm0, $0x3E8, v10;
	vm0 =	vlt.s32 v11, $0x0;
	v3 =	vld.idx.msk [tilespmem:v3+s3+$0x0], $0xffff  }
0xf5: {  	v8 =	vadd.f32 v20, v8;
	v11 =	vsel vm0, $0x3E8, v11;
	v16 =	vld.idx.msk [tilespmem:v16+s3+$0x0], $0xffff  }
0xf6: {  	v0 =	vadd.f32 v0, v9;
	v2 =	vadd.f32 v2, v7;
	v15 =	vld.idx.msk [tilespmem:v15+s3+$0x0], $0xffff  }
0xf7: {  	v4 =	vadd.f32 v4, v6;
	v12 =	vld.idx.msk [tilespmem:v12+s3+$0x0], $0xffff;
	v7 =	vadd.f32 v17, v8  }
0xf8: {  	v5 =	vadd.f32 v24, v5;
	v9 =	vld.idx.msk [tilespmem:v13+s3+$0x0], $0xffff;
	v0 =	vadd.f32 v1, v0  }
0xf9: {  	v8 =	vld.idx.msk [tilespmem:v10+s3+$0x0], $0xffff;
	v2 =	vadd.f32 v3, v2;
	v3 =	vadd.f32 v22, v7  }
0xfa: {  	v5 =	vadd.f32 v21, v5;
	v1 =	vld.idx.msk [tilespmem:v11+s3+$0x0], $0xffff;
	v4 =	vadd.f32 v16, v4  }
0xfb: {  	v0 =	vadd.f32 v15, v0;
	v3 =	vadd.f32 v19, v3  }
0xfc: {  	v5 =	vadd.f32 v18, v5;
	v2 =	vadd.f32 v12, v2  }
0xfd: {  	v4 =	vadd.f32 v9, v4;
	v0 =	vadd.f32 v14, v0;
	[tilespmem:$0x6860] =	vst v3;
	v3 =	vlaneseq.u32  }
0xfe: {  	[tilespmem:$0x6850] =	vst v5;
	v2 =	vadd.f32 v8, v2;
	v5 =	vmul.u32 $0x64, v3  }
0xff: {  	v1 =	vadd.f32 v1, v4;
	[tilespmem:$0x6870] =	vst v0  }
0x100: {  	s3 =	simm.s32 $0x0;
	[tilespmem:$0x6880] =	vst v2;
	v0 =	vadd.s32 $0x3E80, v5  }
0x101: {  	s28 =	sadd.s32 $0xA, s2;
	s5 =	simm.s32 $0x6850;
	s29 =	simm.s32 $0x4;
	[tilespmem:$0x6890] =	vst v1;
	v1 =	vadd.s32 $0x44C0, v5;
	v6 =	vadd.s32 s3, v0  }
0x102: {  	v2 =	vadd.s32 $0x4B00, v5;
	[hbm4b:s28+s3] =	stream.linear.scatter [tilespmem:s5], [sflag:$0x6], $0x50, $0x38;
	v7 =	vadd.s32 s3, v1;
	[tilespmem:$0x6900] =	vst v63  }
0x103: {  	v3 =	vadd.s32 $0x5140, v5;
	v8 =	vadd.s32 s3, v2;
	_ =	swait.ge [sflag:s29], $0x2580  }
0x104: {  	v4 =	vadd.s32 $0x5780, v5;
	v9 =	vadd.s32 s3, v3;
	[sflag:s29] =	ssyncset.done $0x0  }
0x105: {  	s4 =	simm.s32 $0x400;
	v5 =	vadd.s32 $0x5DC0, v5;
	v10 =	vadd.s32 s3, v4;
	[sflag:s29] =	ssyncadd.s32 $0xFFFFDA80  }
0x106: {  	s30 =	simm.s32 $0x3;
	v11 =	vadd.s32 s3, v5;
	v6 =	vld.idx.msk [tilespmem:v6+s4+$0x0], $0xffff  }
0x107: {  	v12 =	vadd.s32 s30, v0;
	v7 =	vld.idx.msk [tilespmem:v7+s4+$0x0], $0xffff  }
0x108: {  	v13 =	vadd.s32 s30, v1;
	v8 =	vld.idx.msk [tilespmem:v8+s4+$0x0], $0xffff  }
0x109: {  	s6 =	simm.s32 $0x2;
	v14 =	vadd.s32 s30, v2;
	v9 =	vld.idx.msk [tilespmem:v9+s4+$0x0], $0xffff  }
0x10a: {  	v15 =	vadd.s32 s6, v0;
	v26 =	vld.idx.msk [tilespmem:v10+s4+$0x0], $0xffff  }
0x10b: {  	v16 =	vadd.s32 s6, v3;
	v28 =	vld.idx.msk [tilespmem:v11+s4+$0x0], $0xffff  }
0x10c: {  	s31 =	simm.s32 $0x1;
	v24 =	vadd.s32 s6, v4;
	v22 =	vld.idx.msk [tilespmem:v12+s4+$0x0], $0xffff  }
0x10d: {  	v25 =	vadd.s32 s31, v0;
	v23 =	vld.idx.msk [tilespmem:v13+s4+$0x0], $0xffff  }
0x10e: {  	v27 =	vadd.s32 s31, v2;
	v21 =	vld.idx.msk [tilespmem:v14+s4+$0x0], $0xffff  }
0x10f: {  	v32 =	vadd.s32 s31, v3;
	v18 =	vld.idx.msk [tilespmem:v15+s4+$0x0], $0xffff  }
0x110: {  	v34 =	vadd.s32 s31, v4;
	v16 =	vld.idx.msk [tilespmem:v16+s4+$0x0], $0xffff  }
0x111: {  	v10 =	vadd.s32 s30, v3;
	v15 =	vld.idx.msk [tilespmem:v24+s4+$0x0], $0xffff  }
0x112: {  	v12 =	vadd.s32 s30, v5;
	v29 =	vld.idx.msk [tilespmem:v25+s4+$0x0], $0xffff  }
0x113: {  	v13 =	vadd.s32 s6, v1;
	v24 =	vld.idx.msk [tilespmem:v27+s4+$0x0], $0xffff  }
0x114: {  	v11 =	vadd.s32 s30, v4;
	v25 =	vld.idx.msk [tilespmem:v32+s4+$0x0], $0xffff  }
0x115: {  	v14 =	vadd.s32 s6, v2;
	v27 =	vld.idx.msk [tilespmem:v34+s4+$0x0], $0xffff  }
0x116: {  	v36 =	vadd.s32 s31, v5;
	v20 =	vld.idx.msk [tilespmem:v10+s4+$0x0], $0xffff  }
0x117: {  	v10 =	vld.idx.msk [tilespmem:v12+s4+$0x0], $0xffff;
	v12 =	vadd.s32 s6, v5;
	vm0 =	vlt.s32 v6, $0x0  }
0x118: {  	v19 =	vld.idx.msk [tilespmem:v13+s4+$0x0], $0xffff;
	v13 =	vadd.s32 s31, v1;
	v6 =	vsel vm0, $0x3E8, v6;
	vm0 =	vlt.s32 v7, $0x0  }
0x119: {  	v11 =	vld.idx.msk [tilespmem:v11+s4+$0x0], $0xffff;
	v33 =	vsel vm0, $0x3E8, v7;
	vm0 =	vlt.s32 v9, $0x0  }
0x11a: {  	v17 =	vld.idx.msk [tilespmem:v14+s4+$0x0], $0xffff;
	vm1 =	vlt.s32 v8, $0x0;
	v32 =	vsel vm0, $0x3E8, v9;
	vm0 =	vlt.s32 v26, $0x0  }
0x11b: {  	v31 =	vsel vm1, $0x3E8, v8;
	vm1 =	vlt.s32 v28, $0x0;
	v35 =	vsel vm0, $0x3E8, v26;
	v26 =	vld.idx.msk [tilespmem:v36+s4+$0x0], $0xffff  }
0x11c: {  	v8 =	vimm.f32 $0.0e+00;
	v34 =	vsel vm1, $0x3E8, v28;
	v14 =	vld.idx.msk [tilespmem:v12+s4+$0x0], $0xffff  }
0x11d: {  	v7 =	vimm.f32 $0.0e+00;
	v9 =	vimm.f32 $0.0e+00;
	vm0 =	vlt.s32 v22, $0x0;
	v30 =	vld.idx.msk [tilespmem:v13+s4+$0x0], $0xffff  }
0x11e: {  	s5 =	simm.s32 $0x4;
	v12 =	vimm.f32 $0.0e+00;
	v13 =	vimm.f32 $0.0e+00;
	v28 =	vld.idx.msk [tilespmem:v6+s3+$0x0], $0xffff;
	v6 =	vimm.f32 $0.0e+00  }
.LBB2_7:
0x11f: {  	p0 =	slt.u32 s5, $0x60;
	v33 =	vld.idx.msk [tilespmem:v33+s3+$0x0], $0xffff;
	v22 =	vsel vm0, $0x3E8, v22;
	vm0 =	vlt.s32 v23, $0x0  }
0x120: {  	v31 =	vld.idx.msk [tilespmem:v31+s3+$0x0], $0xffff;
	v23 =	vsel vm0, $0x3E8, v23;
	vm0 =	vlt.s32 v21, $0x0  }
0x121: {  	v32 =	vld.idx.msk [tilespmem:v32+s3+$0x0], $0xffff;
	v21 =	vsel vm0, $0x3E8, v21;
	vm0 =	vlt.s32 v20, $0x0  }
0x122: {  	vm1 =	vlt.s32 v29, $0x0;
	v35 =	vld.idx.msk [tilespmem:v35+s3+$0x0], $0xffff;
	v20 =	vsel vm0, $0x3E8, v20  }
0x123: {  	v29 =	vsel vm1, $0x3E8, v29;
	vm0 =	vlt.s32 v30, $0x0;
	v34 =	vld.idx.msk [tilespmem:v34+s3+$0x0], $0xffff  }
0x124: {  	v30 =	vsel vm0, $0x3E8, v30;
	vm0 =	vlt.s32 v18, $0x0;
	v22 =	vld.idx.msk [tilespmem:v22+s3+$0x0], $0xffff  }
0x125: {  	v18 =	vsel vm0, $0x3E8, v18;
	vm0 =	vlt.s32 v19, $0x0;
	v23 =	vld.idx.msk [tilespmem:v23+s3+$0x0], $0xffff  }
0x126: {  	v19 =	vsel vm0, $0x3E8, v19;
	vm0 =	vlt.s32 v17, $0x0;
	v21 =	vld.idx.msk [tilespmem:v21+s3+$0x0], $0xffff  }
0x127: {  	v17 =	vsel vm0, $0x3E8, v17;
	vm0 =	vlt.s32 v16, $0x0;
	v20 =	vld.idx.msk [tilespmem:v20+s3+$0x0], $0xffff  }
0x128: {  	vm1 =	vlt.s32 v24, $0x0;
	v16 =	vsel vm0, $0x3E8, v16;
	v29 =	vld.idx.msk [tilespmem:v29+s3+$0x0], $0xffff  }
0x129: {  	v24 =	vsel vm1, $0x3E8, v24;
	vm0 =	vlt.s32 v25, $0x0;
	v30 =	vld.idx.msk [tilespmem:v30+s3+$0x0], $0xffff  }
0x12a: {  	v25 =	vsel vm0, $0x3E8, v25;
	vm0 =	vlt.s32 v27, $0x0;
	v18 =	vld.idx.msk [tilespmem:v18+s3+$0x0], $0xffff  }
0x12b: {  	v27 =	vsel vm0, $0x3E8, v27;
	vm0 =	vlt.s32 v26, $0x0;
	v19 =	vld.idx.msk [tilespmem:v19+s3+$0x0], $0xffff  }
0x12c: {  	vm1 =	vlt.s32 v14, $0x0;
	v26 =	vsel vm0, $0x3E8, v26;
	vm0 =	vlt.s32 v15, $0x0;
	v17 =	vld.idx.msk [tilespmem:v17+s3+$0x0], $0xffff  }
0x12d: {  	v12 =	vadd.f32 v28, v12;
	v13 =	vadd.f32 v33, v13;
	v15 =	vsel vm0, $0x3E8, v15;
	v16 =	vld.idx.msk [tilespmem:v16+s3+$0x0], $0xffff  }
0x12e: {  	v14 =	vsel vm1, $0x3E8, v14;
	vm1 =	vlt.s32 v10, $0x0;
	vm0 =	vlt.s32 v11, $0x0;
	v24 =	vld.idx.msk [tilespmem:v24+s3+$0x0], $0xffff  }
0x12f: {  	v11 =	vsel vm0, $0x3E8, v11;
	v12 =	vadd.f32 v29, v12;
	v13 =	vadd.f32 v30, v13;
	v25 =	vld.idx.msk [tilespmem:v25+s3+$0x0], $0xffff  }
0x130: {  	v10 =	vsel vm1, $0x3E8, v10;
	v27 =	vld.idx.msk [tilespmem:v27+s3+$0x0], $0xffff  }
0x131: {  	v28 =	vadd.s32 s5, v0;
	v12 =	vadd.f32 v18, v12;
	v13 =	vadd.f32 v19, v13;
	v26 =	vld.idx.msk [tilespmem:v26+s3+$0x0], $0xffff  }
0x132: {  	v18 =	vadd.s32 s5, v1;
	v15 =	vld.idx.msk [tilespmem:v15+s3+$0x0], $0xffff  }
0x133: {  	v19 =	vadd.s32 s5, v2;
	v12 =	vadd.f32 v22, v12;
	v13 =	vadd.f32 v23, v13;
	v14 =	vld.idx.msk [tilespmem:v14+s3+$0x0], $0xffff  }
0x134: {  	v8 =	vadd.f32 v31, v8;
	v9 =	vadd.f32 v32, v9;
	v22 =	vadd.s32 s5, v3;
	v11 =	vld.idx.msk [tilespmem:v11+s3+$0x0], $0xffff  }
0x135: {  	v7 =	vadd.f32 v35, v7;
	v6 =	vadd.f32 v34, v6;
	v23 =	vadd.s32 s5, v4;
	v10 =	vld.idx.msk [tilespmem:v10+s3+$0x0], $0xffff  }
0x136: {  	s6 =	sadd.s32 $0x3, s5;
	v29 =	vadd.s32 s5, v5;
	v8 =	vadd.f32 v24, v8;
	v9 =	vadd.f32 v25, v9;
	v28 =	vld.idx.msk [tilespmem:v28+s4+$0x0], $0xffff  }
0x137: {  	v7 =	vadd.f32 v27, v7;
	v6 =	vadd.f32 v26, v6;
	v24 =	vld.idx.msk [tilespmem:v18+s4+$0x0], $0xffff;
	v18 =	vadd.s32 s6, v0  }
0x138: {  	v8 =	vadd.f32 v17, v8;
	v9 =	vadd.f32 v16, v9;
	v25 =	vld.idx.msk [tilespmem:v19+s4+$0x0], $0xffff;
	v19 =	vadd.s32 s6, v1  }
0x139: {  	v16 =	vadd.s32 s6, v2;
	v7 =	vadd.f32 v15, v7;
	v6 =	vadd.f32 v14, v6;
	v26 =	vld.idx.msk [tilespmem:v22+s4+$0x0], $0xffff  }
0x13a: {  	v8 =	vadd.f32 v21, v8;
	v14 =	vadd.s32 s6, v3;
	v9 =	vadd.f32 v20, v9;
	v34 =	vld.idx.msk [tilespmem:v23+s4+$0x0], $0xffff  }
0x13b: {  	v15 =	vadd.s32 s6, v4;
	v7 =	vadd.f32 v11, v7;
	v6 =	vadd.f32 v10, v6;
	v36 =	vld.idx.msk [tilespmem:v29+s4+$0x0], $0xffff  }
0x13c: {  	s7 =	sadd.s32 $0x2, s5;
	v10 =	vadd.s32 s6, v5;
	v22 =	vld.idx.msk [tilespmem:v18+s4+$0x0], $0xffff  }
0x13d: {  	v17 =	vadd.s32 s7, v0;
	v23 =	vld.idx.msk [tilespmem:v19+s4+$0x0], $0xffff  }
0x13e: {  	v19 =	vadd.s32 s7, v1;
	v21 =	vld.idx.msk [tilespmem:v16+s4+$0x0], $0xffff  }
0x13f: {  	v16 =	vadd.s32 s7, v2;
	v20 =	vld.idx.msk [tilespmem:v14+s4+$0x0], $0xffff  }
0x140: {  	v14 =	vadd.s32 s7, v3;
	v11 =	vld.idx.msk [tilespmem:v15+s4+$0x0], $0xffff  }
0x141: {  	v15 =	vadd.s32 s7, v4;
	v10 =	vld.idx.msk [tilespmem:v10+s4+$0x0], $0xffff  }
0x142: {  	v27 =	vadd.s32 s7, v5;
	s6 =	sadd.s32 $0x1, s5;
	v18 =	vld.idx.msk [tilespmem:v17+s4+$0x0], $0xffff  }
0x143: {  	v29 =	vadd.s32 s6, v0;
	v19 =	vld.idx.msk [tilespmem:v19+s4+$0x0], $0xffff  }
0x144: {  	v30 =	vadd.s32 s6, v1;
	v17 =	vld.idx.msk [tilespmem:v16+s4+$0x0], $0xffff  }
0x145: {  	v31 =	vadd.s32 s6, v2;
	v16 =	vld.idx.msk [tilespmem:v14+s4+$0x0], $0xffff  }
0x146: {  	v32 =	vadd.s32 s6, v3;
	v15 =	vld.idx.msk [tilespmem:v15+s4+$0x0], $0xffff  }
0x147: {  	v35 =	vadd.s32 s6, v4;
	v14 =	vld.idx.msk [tilespmem:v27+s4+$0x0], $0xffff  }
0x148: {  	vm0 =	vlt.s32 v28, $0x0;
	v37 =	vadd.s32 s6, v5;
	v29 =	vld.idx.msk [tilespmem:v29+s4+$0x0], $0xffff  }
0x149: {  	v28 =	vsel vm0, $0x3E8, v28;
	vm0 =	vlt.s32 v24, $0x0;
	v30 =	vld.idx.msk [tilespmem:v30+s4+$0x0], $0xffff  }
.Ltmp3:
0x14a: {  	v33 =	vsel vm0, $0x3E8, v24;
	vm0 =	vlt.s32 v25, $0x0;
	v24 =	vld.idx.msk [tilespmem:v31+s4+$0x0], $0xffff;
	(pc) =	sbr.rel @p0 .LBB2_7-.Ltmp3, $4  }
0x14b: {  	v31 =	vsel vm0, $0x3E8, v25;
	vm0 =	vlt.s32 v26, $0x0;
	v25 =	vld.idx.msk [tilespmem:v32+s4+$0x0], $0xffff  }
0x14c: {  	v32 =	vsel vm0, $0x3E8, v26;
	vm0 =	vlt.s32 v34, $0x0;
	v27 =	vld.idx.msk [tilespmem:v35+s4+$0x0], $0xffff  }
0x14d: {  	v35 =	vsel vm0, $0x3E8, v34;
	vm0 =	vlt.s32 v36, $0x0;
	v26 =	vld.idx.msk [tilespmem:v37+s4+$0x0], $0xffff  }
0x14e: {  	s5 =	sadd.s32 $0x4, s5;
	v34 =	vsel vm0, $0x3E8, v36;
	vm0 =	vlt.s32 v22, $0x0;
	v28 =	vld.idx.msk [tilespmem:v28+s3+$0x0], $0xffff  }
0x14f: {  	_ =	sdelay $0x3  }
0x150: {  	v0 =	vld.idx.msk [tilespmem:v33+s3+$0x0], $0xffff;
	v1 =	vsel vm0, $0x3E8, v22;
	vm12 =	vlt.s32 v23, $0x0  }
0x151: {  	v2 =	vld.idx.msk [tilespmem:v31+s3+$0x0], $0xffff;
	vm13 =	vlt.s32 v21, $0x0;
	v3 =	vsel vm12, $0x3E8, v23  }
0x152: {  	v4 =	vld.idx.msk [tilespmem:v32+s3+$0x0], $0xffff;
	vm1 =	vlt.s32 v29, $0x0;
	v5 =	vsel vm13, $0x3E8, v21  }
0x153: {  	v49 =	vld.idx.msk [tilespmem:v35+s3+$0x0], $0xffff;
	vm15 =	vlt.s32 v30, $0x0;
	v51 =	vsel vm1, $0x3E8, v29  }
0x154: {  	v50 =	vld.idx.msk [tilespmem:v34+s3+$0x0], $0xffff;
	vm4 =	vlt.s32 v18, $0x0;
	v52 =	vsel vm15, $0x3E8, v30  }
0x155: {  	vm5 =	vlt.s32 v19, $0x0;
	v18 =	vsel vm4, $0x3E8, v18;
	v1 =	vld.idx.msk [tilespmem:v1+s3+$0x0], $0xffff  }
0x156: {  	vm6 =	vlt.s32 v17, $0x0;
	v19 =	vsel vm5, $0x3E8, v19;
	v3 =	vld.idx.msk [tilespmem:v3+s3+$0x0], $0xffff  }
0x157: {  	vm7 =	vlt.s32 v16, $0x0;
	v17 =	vsel vm6, $0x3E8, v17;
	v5 =	vld.idx.msk [tilespmem:v5+s3+$0x0], $0xffff  }
0x158: {  	vm8 =	vlt.s32 v24, $0x0;
	v16 =	vsel vm7, $0x3E8, v16;
	v23 =	vld.idx.msk [tilespmem:v51+s3+$0x0], $0xffff  }
0x159: {  	v24 =	vsel vm8, $0x3E8, v24;
	vm10 =	vlt.s32 v27, $0x0;
	v29 =	vld.idx.msk [tilespmem:v52+s3+$0x0], $0xffff  }
0x15a: {  	v27 =	vsel vm10, $0x3E8, v27;
	vm11 =	vlt.s32 v26, $0x0;
	v18 =	vld.idx.msk [tilespmem:v18+s3+$0x0], $0xffff  }
0x15b: {  	vm9 =	vlt.s32 v25, $0x0;
	v26 =	vsel vm11, $0x3E8, v26;
	v19 =	vld.idx.msk [tilespmem:v19+s3+$0x0], $0xffff  }
0x15c: {  	vm14 =	vlt.s32 v20, $0x0;
	vm12 =	vlt.s32 v15, $0x0;
	v25 =	vsel vm9, $0x3E8, v25;
	v17 =	vld.idx.msk [tilespmem:v17+s3+$0x0], $0xffff  }
0x15d: {  	v20 =	vsel vm14, $0x3E8, v20;
	vm13 =	vlt.s32 v14, $0x0;
	v15 =	vsel vm12, $0x3E8, v15;
	v53 =	vld.idx.msk [tilespmem:v16+s3+$0x0], $0xffff  }
0x15e: {  	vm14 =	vlt.s32 v11, $0x0;
	vm15 =	vlt.s32 v10, $0x0;
	v14 =	vsel vm13, $0x3E8, v14;
	v54 =	vld.idx.msk [tilespmem:v24+s3+$0x0], $0xffff  }
0x15f: {  	v11 =	vsel vm14, $0x3E8, v11;
	v12 =	vadd.f32 v28, v12;
	v0 =	vadd.f32 v0, v13;
	v56 =	vld.idx.msk [tilespmem:v27+s3+$0x0], $0xffff  }
0x160: {  	v10 =	vsel vm15, $0x3E8, v10;
	v2 =	vadd.f32 v2, v8;
	v59 =	vadd.f32 v4, v9;
	v57 =	vld.idx.msk [tilespmem:v26+s3+$0x0], $0xffff  }
0x161: {  	v7 =	vadd.f32 v49, v7;
	v55 =	vld.idx.msk [tilespmem:v25+s3+$0x0], $0xffff;
	v12 =	vadd.f32 v23, v12  }
0x162: {  	v6 =	vadd.f32 v50, v6;
	v58 =	vld.idx.msk [tilespmem:v15+s3+$0x0], $0xffff;
	v0 =	vadd.f32 v29, v0  }
0x163: {  	v60 =	vld.idx.msk [tilespmem:v14+s3+$0x0], $0xffff;
	v2 =	vadd.f32 v54, v2;
	v12 =	vadd.f32 v18, v12  }
0x164: {  	v61 =	vld.idx.msk [tilespmem:v11+s3+$0x0], $0xffff;
	v0 =	vadd.f32 v19, v0;
	v7 =	vadd.f32 v56, v7  }
0x165: {  	v10 =	vld.idx.msk [tilespmem:v10+s3+$0x0], $0xffff;
	v2 =	vadd.f32 v17, v2;
	v6 =	vadd.f32 v57, v6  }
0x166: {  	v20 =	vld.idx.msk [tilespmem:v20+s3+$0x0], $0xffff;
	v1 =	vadd.f32 v1, v12;
	v0 =	vadd.f32 v3, v0  }
0x167: {  	v3 =	vadd.f32 v55, v59;
	v7 =	vadd.f32 v58, v7  }
0x168: {  	v2 =	vadd.f32 v5, v2;
	v62 =	vadd.f32 v60, v6;
	[tilespmem:$0x68A0] =	vst v1  }
0x169: {  	v3 =	vadd.f32 v53, v3;
	[tilespmem:$0x68B0] =	vst v0;
	v63 =	vadd.f32 v61, v7  }
0x16a: {  	[tilespmem:$0x68C0] =	vst v2;
	v1 =	vadd.f32 v10, v62  }
0x16b: {  	v3 =	vadd.f32 v20, v3;
	[tilespmem:$0x68E0] =	vst v63  }
0x16c: {  	s2 =	sadd.s32 $0x14, s2;
	[tilespmem:$0x68F0] =	vst v1  }
0x16d: {  	s30 =	simm.s32 $0x0;
	s4 =	simm.s32 $0x68A0;
	s31 =	simm.s32 $0x6;
	[tilespmem:$0x68D0] =	vst v3  }
0x16e: {  	[hbm4b:s2+s30] =	stream.linear.scatter [tilespmem:s4], [sflag:$0x6], $0x60, $0x38;
	[tilespmem:$0x6900] =	vst v63  }
0x16f: {  	_ =	swait.ge [sflag:s31], $0x20  }
0x170: {  	[sflag:s31] =	ssyncset.done $0x0  }
0x171: {  	[sflag:s31] =	ssyncadd.s32 $0xFFFFFFE0  }
0x172: {  	_ =	swait.ge [sflag:s31], $0x30  }
0x173: {  	[sflag:s31] =	ssyncset.done $0x0  }
0x174: {  	[sflag:s31] =	ssyncadd.s32 $0xFFFFFFD0  }
0x175: {  	_ =	swait.ge [sflag:s31], $0x50  }
0x176: {  	[sflag:s31] =	ssyncset.done $0x0  }
0x177: {  	[sflag:s31] =	ssyncadd.s32 $0xFFFFFFB0  }
0x178: {  	_ =	swait.ge [sflag:s31], $0x60  }
0x179: {  	[sflag:s31] =	ssyncset.done $0x0  }
0x17a: {  	[sflag:s31] =	ssyncadd.s32 $0xFFFFFFA0  }
0x17b: {  	_ =	sfence.sel $0x180000  }
0x17c: {  	[bflag:$0x0] =	sbarrier.arrive $0xFFFF  }
0x17d: {  	p0 =	sne.s32 s0, $0x0;
	_ =	strace $0x90000047  }
0x17e: {  	s0 =	sadd.s32 @!p0 $0x100000, s1;
	[bflag:$0x2] =	sbarrier.arrive $0xFFFF  }
0x17f: {  	[sflag:s0] =	ssyncadd.tile.s32 @!p0 $0x1;
	_ =	shalt  }
.Lfunc_end2:
_tile_overlayer_lowered:
.L_overlay_start_2:
0x180: {  	(tag) =	ssettag $0x2  }
0x181: {  	s0 =	rddreg [dreg:$0x0];
	s2 =	stileid.u32  }
0x182: {  	s1 =	rddreg [dreg:$0x1];
	p0 =	sne.s32 s2, $0x0  }
0x183: {  	s3 =	rddreg [dreg:$0x2];
	[bflag:$0x3] =	sbarrier.arrive $0xFFFF;
	s2 =	simm.s32 @!p0 $0x1C07  }
0x184: {  	[timem:s3], [sflag:s2] =	dma.local @!p0 [hbm:s0], s1  }
0x185: {  	s0 =	simm.s32 @!p0 $0x7  }
0x186: {  	_ =	swait.ge @!p0 [sflag:s0], s1  }
0x187: {  	s1 =	ssub.s32 @!p0 $0x0, s1;
	[sflag:s0] =	ssyncset.done @!p0 $0x0  }
0x188: {  	[sflag:s0] =	ssyncadd.s32 @!p0 s1  }
0x189: {  	[bflag:$0x3] =	sbarrier.arrive $0xFFFF  }
0x18a: {  	_ =	shalt  }

</sc_bundles>
